<compile_context>
chip_gen: v7x
topology: tpu7x:2x2x1
jax: 0.10.2.dev20260603
libtpu: 0.0.44.dev20260713+nightly
codegen_flags: <defaults>
</compile_context>

<pallas_src>
import functools

import jax
import jax.numpy as jnp
from jax import lax
from jax.experimental import pallas as pl
from jax.experimental.pallas import tpu as pltpu
from jax.experimental.pallas import tpu_sc as plsc

_N = 10000
_H = 64
_G = 16
_SUB = 128
_NC = 2
_NS = 16
_NW = _NC * _NS
_NPAD = 10240
_NSH = _NPAD // _NS



def _seg_inner(rpw0, rpw1, p_hbm, src_hbm, dst_hbm,
               seg_out, src_idx, dst_idx, gbuf0, gbuf1, gbuf2, gbuf3, acc,
               semg0, semg1, semg2, semg3, sems0, sems1, sems2, sems3):
    c = lax.axis_index("c")
    s = lax.axis_index("s")
    rpw = jnp.where(c == 0, rpw0, rpw1)
    base = pl.multiple_of(
        jnp.where(c == 0, s * rpw0, _NS * rpw0 + s * rpw1), 8)
    rmax = max(rpw0, rpw1)
    pltpu.sync_copy(src_hbm.at[pl.ds(base, rmax)], src_idx)
    pltpu.sync_copy(dst_hbm.at[pl.ds(base, rmax)], dst_idx)
    zv = jnp.zeros((16,), jnp.float32)

    def zrow(i, carry):
        for j in range(_H // 16):
            gbuf0[i, pl.ds(j * 16, 16)] = zv
        return carry

    lax.fori_loop(0, _SUB, zrow, 0)
    for i in range(_NSH // _SUB):
        pltpu.sync_copy(gbuf0, acc.at[pl.ds(s * _NSH + i * _SUB, _SUB)])
    plsc.subcore_barrier()

    gbufs = (gbuf0, gbuf1, gbuf2, gbuf3)
    semg = (semg0, semg1, semg2, semg3)
    sems = (sems0, sems1, sems2, sems3)
    dummy = p_hbm.at[pl.ds(0, _SUB)]

    def g_start(k, b):
        pltpu.async_copy(p_hbm.at[src_idx.at[k]], gbufs[b], semg[b])

    def g_wait(b):
        pltpu.make_async_copy(dummy, gbufs[b], semg[b]).wait()

    def s_start(k, b):
        pltpu.async_copy(gbufs[b], acc.at[dst_idx.at[k]], sems[b], add=True)

    def s_wait(b):
        pltpu.make_async_copy(dummy, gbufs[b], sems[b]).wait()

    def ops(k, b, do_swait, do_gstart):
        b2 = (b + 2) % 4
        g_wait(b)
        s_start(k, b)
        if do_swait:
            s_wait(b2)
        if do_gstart:
            g_start(k + 2, b2)

    g_start(0, 0)
    g_start(1, 1)
    ops(0, 0, False, False)
    g_start(2, 2)
    ops(1, 1, False, False)
    g_start(3, 3)
    ops(2, 2, True, True)
    ops(3, 3, True, True)

    def round_(j, carry):
        k = 4 + 4 * j
        ops(k, 0, True, True)
        ops(k + 1, 1, True, True)
        ops(k + 2, 2, True, True)
        ops(k + 3, 3, True, True)
        return carry

    lax.fori_loop(0, (rpw - 8) // 4, round_, 0)

    ops(rpw - 4, 0, True, True)
    ops(rpw - 3, 1, True, True)
    ops(rpw - 2, 2, True, False)
    ops(rpw - 1, 3, True, False)
    s_wait(2)
    s_wait(3)

    plsc.subcore_barrier()
    sl = pl.ds(s * _NSH, _NSH)
    pltpu.sync_copy(acc.at[sl], seg_out.at[c, sl])


@functools.lru_cache(maxsize=None)
def _make_seg(rpw0, rpw1):
    mesh = plsc.VectorSubcoreMesh(core_axis_name="c", subcore_axis_name="s")
    out_type = [jax.ShapeDtypeStruct((_NC, _NPAD, _H), jnp.float32)]
    rmax = max(rpw0, rpw1)
    scratch = (
        [pltpu.VMEM((rmax, _SUB), jnp.int32)] * 2
        + [pltpu.VMEM((_SUB, _H), jnp.float32)] * 4
        + [pltpu.VMEM_SHARED((_NPAD, _H), jnp.float32)]
        + [pltpu.SemaphoreType.DMA] * 8
    )

    @functools.partial(pl.kernel, out_type=out_type, mesh=mesh,
                       compiler_params=pltpu.CompilerParams(
                           use_tc_tiling_on_sc=False),
                       scratch_types=scratch)
    def seg_k(p_hbm, src_hbm, dst_hbm, seg_out,
              src_idx, dst_idx, gbuf0, gbuf1, gbuf2, gbuf3, acc,
              semg0, semg1, semg2, semg3, sems0, sems1, sems2, sems3):
        _seg_inner(rpw0, rpw1, p_hbm, src_hbm, dst_hbm,
                   seg_out, src_idx, dst_idx,
                   gbuf0, gbuf1, gbuf2, gbuf3, acc,
                   semg0, semg1, semg2, semg3,
                   sems0, sems1, sems2, sems3)

    return seg_k


@functools.lru_cache(maxsize=None)
def _make_cnt(rpw):
    mesh = plsc.VectorSubcoreMesh(core_axis_name="c", subcore_axis_name="s")

    @functools.partial(
        pl.kernel,
        out_type=[jax.ShapeDtypeStruct((_NC, _NPAD, 8), jnp.float32)],
        mesh=mesh,
        compiler_params=pltpu.CompilerParams(use_tc_tiling_on_sc=False),
        scratch_types=[
            pltpu.VMEM((rpw, _SUB), jnp.int32),
            pltpu.VMEM((_SUB, 8), jnp.float32),
            pltpu.VMEM_SHARED((_NPAD, 8), jnp.float32),
            pltpu.SemaphoreType.DMA,
        ])
    def cnt_k(dst_hbm, zc_hbm, ones_hbm, cnt_out,
              dst_idx, ones_v, cnt_acc, semc):
        c = lax.axis_index("c")
        s = lax.axis_index("s")
        base = (c * _NS + s) * rpw
        pltpu.sync_copy(dst_hbm.at[pl.ds(base, rpw)], dst_idx)
        psl = pl.ds(s * _NSH, _NSH)
        pltpu.sync_copy(zc_hbm, cnt_acc.at[psl])
        pltpu.sync_copy(ones_hbm, ones_v)
        plsc.subcore_barrier()

        def step(k, carry):
            pltpu.async_copy(ones_v, cnt_acc.at[dst_idx.at[k]], semc,
                             add=True)
            return carry

        lax.fori_loop(0, rpw, step, 0)

        def drain(i, carry):
            pltpu.make_async_copy(ones_hbm, ones_v, semc).wait()
            return carry

        lax.fori_loop(0, rpw, drain, 0)
        plsc.subcore_barrier()
        pltpu.sync_copy(cnt_acc.at[psl], cnt_out.at[c, psl])

    return cnt_k



_DNUM = (((1,), (1,)), ((), ()))


def _tc_a_body(x_ref, wl_ref, wr_ref, p_out, r_out):
    xv = x_ref[...]
    p_out[...] = lax.dot_general(xv, wl_ref[...], _DNUM,
                                 preferred_element_type=jnp.float32)
    r_out[...] = lax.dot_general(xv, wr_ref[...], _DNUM,
                                 preferred_element_type=jnp.float32)


def _tc_mid_body(segp_ref, cntp_ref, r_ref, blc_ref, wl_ref, wr_ref,
                 bln_ref, flag_ref, p_out, r_out, h_out):
    seg = segp_ref[0] + segp_ref[1]
    cnt = cntp_ref[0, :, 0:1] + cntp_ref[1, :, 0:1]
    out = seg / jnp.maximum(cnt, 1.0) + blc_ref[...] + r_ref[...]
    f = flag_ref[...]
    h = out + f * (jnp.maximum(out, 0.0) - out)
    h_out[...] = h
    p_out[...] = lax.dot_general(h, wl_ref[...], _DNUM,
                                 preferred_element_type=jnp.float32)
    r_out[...] = lax.dot_general(h, wr_ref[...], _DNUM,
                                 preferred_element_type=jnp.float32) + bln_ref[...]


def _tc_c_body(h_ref, wm1_ref, bm1_ref, wm2_ref, bm2_ref,
               batch_ref, bt_ref, out_ref):
    h = h_ref[...]
    m = jnp.maximum(lax.dot_general(h, wm1_ref[...], _DNUM,
                                    preferred_element_type=jnp.float32)
                    + bm1_ref[...], 0.0)
    z = jnp.sum(m * wm2_ref[...], axis=1, keepdims=True) + bm2_ref[...]
    pi = jax.nn.sigmoid(z)
    b = batch_ref[...]
    gid = lax.broadcasted_iota(jnp.int32, (1, _G), 1)
    onehot = (b == gid).astype(jnp.float32)
    total = jnp.sum(onehot * pi, axis=0, keepdims=True)
    ratio = jnp.minimum(bt_ref[...] / (total + 1e-12), 1.0)
    rnode = jnp.sum(onehot * ratio, axis=1, keepdims=True)
    out_ref[...] = pi * rnode


def _sds(*shape):
    return jax.ShapeDtypeStruct(shape, jnp.float32)



@jax.jit
def _impl(x, edge_index, batch, B_total,
          Wl1, bl1, Wr1, Wl2, bl2, Wr2, Wm1, bm1, Wm2, bm2):
    n, f_in = x.shape
    e = edge_index.shape[1]
    rpw = -(-e // (_NW * _SUB))
    rpw = -(-rpw // 8) * 8
    rt = rpw * _NW
    epad = rt * _SUB
    src_p = jnp.concatenate(
        [edge_index[0], jnp.zeros((epad - e,), jnp.int32)]).reshape(rt, _SUB)
    dst_p = jnp.concatenate(
        [edge_index[1], jnp.full((epad - e,), _N, jnp.int32)]).reshape(rt, _SUB)
    zc = jnp.zeros((_NSH, 8), jnp.float32)
    ones8 = jnp.ones((_SUB, 8), jnp.float32)
    x_p = jnp.pad(x, ((0, _NPAD - n), (0, 0)))
    batch_p = jnp.concatenate(
        [batch, jnp.full((_NPAD - n,), _G, jnp.int32)])

    p1, r1 = pl.pallas_call(
        _tc_a_body,
        out_shape=[_sds(_NPAD, _H), _sds(_NPAD, _H)],
    )(x_p, Wl1, Wr1)

    (cntp,) = _make_cnt(rpw)(dst_p, zc, ones8)
    rpw1 = max(8, (2 * rpw * 3 // 10) // 8 * 8)
    rpw0 = 2 * rpw - rpw1
    seg_fn = _make_seg(rpw0, rpw1)

    stack_wl = jnp.stack([Wl2, jnp.zeros_like(Wl2)])
    stack_wr = jnp.stack([Wr2, jnp.zeros_like(Wr2)])
    stack_blc = jnp.stack([bl1, bl2]).reshape(2, 1, _H)
    stack_bln = jnp.stack([bl2, jnp.zeros_like(bl2)]).reshape(2, 1, _H)
    flags = jnp.array([[[1.0]], [[0.0]]], jnp.float32)
    n_iter = 2 - jnp.isnan(B_total[0]).astype(jnp.int32)

    def cond(st):
        return st[0] < n_iter

    def body(st):
        i, p, r, _ = st
        (segp,) = seg_fn(p, src_p, dst_p)
        p_n, r_n, h = pl.pallas_call(
            _tc_mid_body,
            out_shape=[_sds(_NPAD, _H)] * 3,
        )(segp, cntp, r,
          lax.dynamic_index_in_dim(stack_blc, i, keepdims=False),
          lax.dynamic_index_in_dim(stack_wl, i, keepdims=False),
          lax.dynamic_index_in_dim(stack_wr, i, keepdims=False),
          lax.dynamic_index_in_dim(stack_bln, i, keepdims=False),
          lax.dynamic_index_in_dim(flags, i, keepdims=False))
        return (i + 1, p_n, r_n, h)

    st0 = (jnp.int32(0), p1, r1, jnp.zeros((_NPAD, _H), jnp.float32))
    _, _, _, h = lax.while_loop(cond, body, st0)

    out = pl.pallas_call(
        _tc_c_body,
        out_shape=_sds(_NPAD, 1),
    )(h, Wm1, bm1.reshape(1, -1), Wm2, bm2.reshape(1, -1),
      batch_p.reshape(-1, 1), B_total.reshape(1, -1))
    return out[:n, 0]


def kernel(x, edge_index, edge_attr, batch, B_total,
           Wl1, bl1, Wr1, Wl2, bl2, Wr2, Wm1, bm1, Wm2, bm2):
    del edge_attr
    return _impl(x, edge_index, batch, B_total,
                 Wl1, bl1, Wr1, Wl2, bl2, Wr2, Wm1, bm1, Wm2, bm2)

# --- scband reference (transcript-rebuilt; emitter-appended) ---
"""Pipeline reference for scband-graph-sage-allocation-predictor-82609400971333 (READ-ONLY COPY).

The authoritative reference and input builder live on the scoring server;
editing this copy changes nothing except your own understanding.
"""

import jax, jax.numpy as jnp
import numpy as np

N = 10000
E = 320000
F_IN = 128
H = 64
G = 16


def setup_inputs(seed: int = 0) -> dict:
    key = jax.random.key(seed)
    ks = jax.random.split(key, 16)
    x = jax.random.normal(ks[0], (N, F_IN), dtype=jnp.float32)
    edge_index = jax.random.randint(ks[1], (2, E), 0, N, dtype=jnp.int32)
    edge_attr = jax.random.normal(ks[2], (E, 4), dtype=jnp.float32)
    batch = jnp.sort(jax.random.randint(ks[3], (N,), 0, G, dtype=jnp.int32))
    B_total = jax.random.uniform(ks[4], (G,), dtype=jnp.float32) * 100.0
    # SAGEConv 1: in 128 -> 64  (lin_l has bias, lin_r no bias)
    Wl1 = jax.random.normal(ks[5], (H, F_IN), dtype=jnp.float32) * (1.0 / np.sqrt(F_IN))
    bl1 = jnp.zeros((H,), dtype=jnp.float32)
    Wr1 = jax.random.normal(ks[6], (H, F_IN), dtype=jnp.float32) * (1.0 / np.sqrt(F_IN))
    # SAGEConv 2: 64 -> 64
    Wl2 = jax.random.normal(ks[7], (H, H), dtype=jnp.float32) * (1.0 / np.sqrt(H))
    bl2 = jnp.zeros((H,), dtype=jnp.float32)
    Wr2 = jax.random.normal(ks[8], (H, H), dtype=jnp.float32) * (1.0 / np.sqrt(H))
    # MLP readout: Linear(64,32) ReLU Linear(32,1) Sigmoid
    Wm1 = jax.random.normal(ks[9], (H // 2, H), dtype=jnp.float32) * (1.0 / np.sqrt(H))
    bm1 = jnp.zeros((H // 2,), dtype=jnp.float32)
    Wm2 = jax.random.normal(ks[10], (1, H // 2), dtype=jnp.float32) * (1.0 / np.sqrt(H // 2))
    bm2 = jnp.zeros((1,), dtype=jnp.float32)
    return {"x": x, "edge_index": edge_index, "edge_attr": edge_attr,
            "batch": batch, "B_total": B_total,
            "Wl1": Wl1, "bl1": bl1, "Wr1": Wr1,
            "Wl2": Wl2, "bl2": bl2, "Wr2": Wr2,
            "Wm1": Wm1, "bm1": bm1, "Wm2": Wm2, "bm2": bm2}


def _sage_conv(h, src, dst, Wl, bl, Wr):
    # PyG SAGEConv (mean aggr): out = lin_l(mean_{j in N(i)} h_j) + lin_r(h_i)
    msg = h[src]
    s = jax.ops.segment_sum(msg, dst, num_segments=N)
    cnt = jax.ops.segment_sum(jnp.ones((dst.shape[0],), dtype=h.dtype), dst, num_segments=N)
    mean = s / jnp.maximum(cnt, 1.0)[:, None]
    return mean @ Wl.T + bl + h @ Wr.T


def reference(x, edge_index, edge_attr, batch, B_total,
              Wl1, bl1, Wr1, Wl2, bl2, Wr2, Wm1, bm1, Wm2, bm2):
    src = edge_index[0]
    dst = edge_index[1]
    # GraphSAGE backbone: act between layers, none after last
    h = jax.nn.relu(_sage_conv(x, src, dst, Wl1, bl1, Wr1))
    h = _sage_conv(h, src, dst, Wl2, bl2, Wr2)
    # MLP readout
    m = jax.nn.relu(h @ Wm1.T + bm1)
    pi_raw = jax.nn.sigmoid(m @ Wm2.T + bm2)[:, 0]
    # c_cost defaults to ones -> node_expenses = pi_raw
    node_expenses = pi_raw
    total_expenses = jax.ops.segment_sum(node_expenses, batch, num_segments=G)
    B_broadcast = B_total[batch]
    exp_broadcast = total_expenses[batch]
    ratio = jnp.minimum(B_broadcast / (exp_broadcast + 1e-12), 1.0)
    final_alloc = pi_raw * ratio
    return final_alloc

if __name__ == "__main__":
    import jax
    _d = setup_inputs()
    print(jax.jit(kernel)(*tuple(_d.values())))

</pallas_src>

<mosaic_0001>
#map = affine_map<(d0, d1) -> (0, 0)>
#map1 = affine_map<(d0, d1) -> (0, 0, 0)>
module attributes {stable_mosaic.version = 14 : i64} {
  func.func @seg_k(%arg0: i32, %arg1: i32, %arg2: memref<10240x64xf32, #tpu.memory_space<hbm>>, %arg3: memref<2560x128xi32, #tpu.memory_space<hbm>>, %arg4: memref<2560x128xi32, #tpu.memory_space<hbm>>, %arg5: memref<2x10240x64xf32, #tpu.memory_space<hbm>>, %arg6: memref<112x128xi32, #tpu.memory_space<vmem>>, %arg7: memref<112x128xi32, #tpu.memory_space<vmem>>, %arg8: memref<128x64xf32, #tpu.memory_space<vmem>>, %arg9: memref<128x64xf32, #tpu.memory_space<vmem>>, %arg10: memref<128x64xf32, #tpu.memory_space<vmem>>, %arg11: memref<128x64xf32, #tpu.memory_space<vmem>>, %arg12: memref<10240x64xf32, #tpu.memory_space<vmem_shared>>, %arg13: memref<!tpu.dma_semaphore, #tpu.memory_space<semaphore_mem>>, %arg14: memref<!tpu.dma_semaphore, #tpu.memory_space<semaphore_mem>>, %arg15: memref<!tpu.dma_semaphore, #tpu.memory_space<semaphore_mem>>, %arg16: memref<!tpu.dma_semaphore, #tpu.memory_space<semaphore_mem>>, %arg17: memref<!tpu.dma_semaphore, #tpu.memory_space<semaphore_mem>>, %arg18: memref<!tpu.dma_semaphore, #tpu.memory_space<semaphore_mem>>, %arg19: memref<!tpu.dma_semaphore, #tpu.memory_space<semaphore_mem>>, %arg20: memref<!tpu.dma_semaphore, #tpu.memory_space<semaphore_mem>>) attributes {dimension_semantics = [#tpu.dimension_semantics<core_parallel>, #tpu.dimension_semantics<subcore_parallel>], iteration_bounds = array<i64: 2, 16>, scalar_prefetch = 0 : i64, scratch_operands = 15 : i64, tpu.core_type = #tpu.core_type<sc_vector_subcore>, window_params = [{transform_indices = #map}, {transform_indices = #map}, {transform_indices = #map}, {transform_indices = #map1}]} {
    %eq3A = arith.constant 0 : i32
    %eq3A_0 = arith.cmpi eq, %arg0, %eq3A : i32
    %jit3A = arith.constant 112 : i32
    %jit3A_1 = arith.constant 48 : i32
    %select_n3A = arith.select %eq3A_0, %jit3A, %jit3A_1 : i32
    %eq3A_2 = arith.constant 0 : i32
    %eq3A_3 = arith.cmpi eq, %arg0, %eq3A_2 : i32
    %mul3A = arith.constant 112 : i32
    %mul3A_4 = arith.muli %arg1, %mul3A : i32
    %mul3A_5 = arith.constant 48 : i32
    %mul3A_6 = arith.muli %arg1, %mul3A_5 : i32
    %add3A = arith.constant 1792 : i32
    %add3A_7 = arith.addi %add3A, %mul3A_6 : i32
    %select_n3A_8 = arith.select %eq3A_3, %mul3A_4, %add3A_7 : i32
    %multiple_of3A = tpu.assume_multiple %select_n3A_8, 8 : i32
    "tpu.region"() ({
      %run_scoped3A = tpu.sem_alloc : memref<!tpu.dma_semaphore, #tpu.memory_space<semaphore_mem>>
      %dma_start3A_279 = arith.constant 0 : i32
      %dma_start3A_280 = tpu.memref_slice %arg3[%multiple_of3A, %dma_start3A_279] : memref<2560x128xi32, #tpu.memory_space<hbm>> -> memref<112x128xi32, #tpu.memory_space<hbm>>
      %dma_start3A_281 = arith.constant 0 : i32
      %dma_start3A_282 = tpu.memref_slice %arg3[%multiple_of3A, %dma_start3A_281] : memref<2560x128xi32, #tpu.memory_space<hbm>> -> memref<112x128xi32, #tpu.memory_space<hbm>>
      tpu.enqueue_dma source(%dma_start3A_282 : memref<112x128xi32, #tpu.memory_space<hbm>>) target(%arg6 : memref<112x128xi32, #tpu.memory_space<vmem>>) target_semaphore(%run_scoped3A : memref<!tpu.dma_semaphore, #tpu.memory_space<semaphore_mem>>)
      %dma_wait3A_283 = arith.constant 0 : i32
      %dma_wait3A_284 = tpu.memref_slice %arg3[%multiple_of3A, %dma_wait3A_283] : memref<2560x128xi32, #tpu.memory_space<hbm>> -> memref<112x128xi32, #tpu.memory_space<hbm>>
      %dma_wait3A_285 = arith.constant 0 : i32
      %dma_wait3A_286 = tpu.memref_slice %arg3[%multiple_of3A, %dma_wait3A_285] : memref<2560x128xi32, #tpu.memory_space<hbm>> -> memref<112x128xi32, #tpu.memory_space<hbm>>
      tpu.wait_dma2 semaphore(%run_scoped3A : memref<!tpu.dma_semaphore, #tpu.memory_space<semaphore_mem>>) src(%dma_wait3A_286 : memref<112x128xi32, #tpu.memory_space<hbm>>) dst(%arg6 : memref<112x128xi32, #tpu.memory_space<vmem>>)
      tpu.yield
    }) : () -> ()
    "tpu.region"() ({
      %run_scoped3A = tpu.sem_alloc : memref<!tpu.dma_semaphore, #tpu.memory_space<semaphore_mem>>
      %dma_start3A_279 = arith.constant 0 : i32
      %dma_start3A_280 = tpu.memref_slice %arg4[%multiple_of3A, %dma_start3A_279] : memref<2560x128xi32, #tpu.memory_space<hbm>> -> memref<112x128xi32, #tpu.memory_space<hbm>>
      %dma_start3A_281 = arith.constant 0 : i32
      %dma_start3A_282 = tpu.memref_slice %arg4[%multiple_of3A, %dma_start3A_281] : memref<2560x128xi32, #tpu.memory_space<hbm>> -> memref<112x128xi32, #tpu.memory_space<hbm>>
      tpu.enqueue_dma source(%dma_start3A_282 : memref<112x128xi32, #tpu.memory_space<hbm>>) target(%arg7 : memref<112x128xi32, #tpu.memory_space<vmem>>) target_semaphore(%run_scoped3A : memref<!tpu.dma_semaphore, #tpu.memory_space<semaphore_mem>>)
      %dma_wait3A_283 = arith.constant 0 : i32
      %dma_wait3A_284 = tpu.memref_slice %arg4[%multiple_of3A, %dma_wait3A_283] : memref<2560x128xi32, #tpu.memory_space<hbm>> -> memref<112x128xi32, #tpu.memory_space<hbm>>
      %dma_wait3A_285 = arith.constant 0 : i32
      %dma_wait3A_286 = tpu.memref_slice %arg4[%multiple_of3A, %dma_wait3A_285] : memref<2560x128xi32, #tpu.memory_space<hbm>> -> memref<112x128xi32, #tpu.memory_space<hbm>>
      tpu.wait_dma2 semaphore(%run_scoped3A : memref<!tpu.dma_semaphore, #tpu.memory_space<semaphore_mem>>) src(%dma_wait3A_286 : memref<112x128xi32, #tpu.memory_space<hbm>>) dst(%arg7 : memref<112x128xi32, #tpu.memory_space<vmem>>)
      tpu.yield
    }) : () -> ()
    %broadcast_in_dim3A = arith.constant 0.000000e+00 : f32
    %broadcast_in_dim3A_9 = vector.broadcast %broadcast_in_dim3A : f32 to vector<16xf32>
    %scan3A = arith.constant 0 : i32
    %scan3A_10 = arith.constant 0 : i32
    %scan3A_11 = arith.constant 128 : i32
    %scan3A_12 = arith.addi %scan3A_10, %scan3A_11 : i32
    %scan3A_13 = arith.constant 1 : i32
    scf.for %scan3A_279 = %scan3A_10 to %scan3A_12 step %scan3A_13  : i32 {
      %swap3A = arith.index_cast %scan3A_279 : i32 to index
      %swap3A_280 = arith.constant 0 : index
      %swap3A_281 = tpu.vector_load %arg8[%swap3A, %swap3A_280] {strides = array<i32>} : memref<128x64xf32, #tpu.memory_space<vmem>>, vector<1x16xf32>,
      %swap3A_282 = vector.shape_cast %swap3A_281 : vector<1x16xf32> to vector<16xf32>
      %swap3A_283 = vector.shape_cast %broadcast_in_dim3A_9 : vector<16xf32> to vector<1x16xf32>
      tpu.vector_store %arg8[%swap3A, %swap3A_280], %swap3A_283 {strides = array<i32>} : memref<128x64xf32, #tpu.memory_space<vmem>>, vector<1x16xf32>,
      %swap3A_284 = arith.index_cast %scan3A_279 : i32 to index
      %swap3A_285 = arith.constant 16 : index
      %swap3A_286 = tpu.vector_load %arg8[%swap3A_284, %swap3A_285] {strides = array<i32>} : memref<128x64xf32, #tpu.memory_space<vmem>>, vector<1x16xf32>,
      %swap3A_287 = vector.shape_cast %swap3A_286 : vector<1x16xf32> to vector<16xf32>
      %swap3A_288 = vector.shape_cast %broadcast_in_dim3A_9 : vector<16xf32> to vector<1x16xf32>
      tpu.vector_store %arg8[%swap3A_284, %swap3A_285], %swap3A_288 {strides = array<i32>} : memref<128x64xf32, #tpu.memory_space<vmem>>, vector<1x16xf32>,
      %swap3A_289 = arith.index_cast %scan3A_279 : i32 to index
      %swap3A_290 = arith.constant 32 : index
      %swap3A_291 = tpu.vector_load %arg8[%swap3A_289, %swap3A_290] {strides = array<i32>} : memref<128x64xf32, #tpu.memory_space<vmem>>, vector<1x16xf32>,
      %swap3A_292 = vector.shape_cast %swap3A_291 : vector<1x16xf32> to vector<16xf32>
      %swap3A_293 = vector.shape_cast %broadcast_in_dim3A_9 : vector<16xf32> to vector<1x16xf32>
      tpu.vector_store %arg8[%swap3A_289, %swap3A_290], %swap3A_293 {strides = array<i32>} : memref<128x64xf32, #tpu.memory_space<vmem>>, vector<1x16xf32>,
      %swap3A_294 = arith.index_cast %scan3A_279 : i32 to index
      %swap3A_295 = arith.constant 48 : index
      %swap3A_296 = tpu.vector_load %arg8[%swap3A_294, %swap3A_295] {strides = array<i32>} : memref<128x64xf32, #tpu.memory_space<vmem>>, vector<1x16xf32>,
      %swap3A_297 = vector.shape_cast %swap3A_296 : vector<1x16xf32> to vector<16xf32>
      %swap3A_298 = vector.shape_cast %broadcast_in_dim3A_9 : vector<16xf32> to vector<1x16xf32>
      tpu.vector_store %arg8[%swap3A_294, %swap3A_295], %swap3A_298 {strides = array<i32>} : memref<128x64xf32, #tpu.memory_space<vmem>>, vector<1x16xf32>,
    }
    %scan3A_14 = arith.constant 128 : i32
    %mul3A_15 = arith.constant 640 : i32
    %mul3A_16 = arith.muli %arg1, %mul3A_15 : i32
    %add3A_17 = arith.constant 0 : i32
    %add3A_18 = arith.addi %mul3A_16, %add3A_17 : i32
    "tpu.region"() ({
      %run_scoped3A = tpu.sem_alloc : memref<!tpu.dma_semaphore, #tpu.memory_space<semaphore_mem>>
      %dma_start3A_279 = arith.constant 0 : i32
      %dma_start3A_280 = tpu.memref_slice %arg12[%add3A_18, %dma_start3A_279] : memref<10240x64xf32, #tpu.memory_space<vmem_shared>> -> memref<128x64xf32, #tpu.memory_space<vmem_shared>>
      %dma_start3A_281 = arith.constant 0 : i32
      %dma_start3A_282 = tpu.memref_slice %arg12[%add3A_18, %dma_start3A_281] : memref<10240x64xf32, #tpu.memory_space<vmem_shared>> -> memref<128x64xf32, #tpu.memory_space<vmem_shared>>
      tpu.enqueue_dma source(%arg8 : memref<128x64xf32, #tpu.memory_space<vmem>>) target(%dma_start3A_282 : memref<128x64xf32, #tpu.memory_space<vmem_shared>>) target_semaphore(%run_scoped3A : memref<!tpu.dma_semaphore, #tpu.memory_space<semaphore_mem>>)
      %dma_wait3A_283 = arith.constant 0 : i32
      %dma_wait3A_284 = tpu.memref_slice %arg12[%add3A_18, %dma_wait3A_283] : memref<10240x64xf32, #tpu.memory_space<vmem_shared>> -> memref<128x64xf32, #tpu.memory_space<vmem_shared>>
      %dma_wait3A_285 = arith.constant 0 : i32
      %dma_wait3A_286 = tpu.memref_slice %arg12[%add3A_18, %dma_wait3A_285] : memref<10240x64xf32, #tpu.memory_space<vmem_shared>> -> memref<128x64xf32, #tpu.memory_space<vmem_shared>>
      tpu.wait_dma2 semaphore(%run_scoped3A : memref<!tpu.dma_semaphore, #tpu.memory_space<semaphore_mem>>) src(%arg8 : memref<128x64xf32, #tpu.memory_space<vmem>>) dst(%dma_wait3A_286 : memref<128x64xf32, #tpu.memory_space<vmem_shared>>)
      tpu.yield
    }) : () -> ()
    %mul3A_19 = arith.constant 640 : i32
    %mul3A_20 = arith.muli %arg1, %mul3A_19 : i32
    %add3A_21 = arith.constant 128 : i32
    %add3A_22 = arith.addi %mul3A_20, %add3A_21 : i32
    "tpu.region"() ({
      %run_scoped3A = tpu.sem_alloc : memref<!tpu.dma_semaphore, #tpu.memory_space<semaphore_mem>>
      %dma_start3A_279 = arith.constant 0 : i32
      %dma_start3A_280 = tpu.memref_slice %arg12[%add3A_22, %dma_start3A_279] : memref<10240x64xf32, #tpu.memory_space<vmem_shared>> -> memref<128x64xf32, #tpu.memory_space<vmem_shared>>
      %dma_start3A_281 = arith.constant 0 : i32
      %dma_start3A_282 = tpu.memref_slice %arg12[%add3A_22, %dma_start3A_281] : memref<10240x64xf32, #tpu.memory_space<vmem_shared>> -> memref<128x64xf32, #tpu.memory_space<vmem_shared>>
      tpu.enqueue_dma source(%arg8 : memref<128x64xf32, #tpu.memory_space<vmem>>) target(%dma_start3A_282 : memref<128x64xf32, #tpu.memory_space<vmem_shared>>) target_semaphore(%run_scoped3A : memref<!tpu.dma_semaphore, #tpu.memory_space<semaphore_mem>>)
      %dma_wait3A_283 = arith.constant 0 : i32
      %dma_wait3A_284 = tpu.memref_slice %arg12[%add3A_22, %dma_wait3A_283] : memref<10240x64xf32, #tpu.memory_space<vmem_shared>> -> memref<128x64xf32, #tpu.memory_space<vmem_shared>>
      %dma_wait3A_285 = arith.constant 0 : i32
      %dma_wait3A_286 = tpu.memref_slice %arg12[%add3A_22, %dma_wait3A_285] : memref<10240x64xf32, #tpu.memory_space<vmem_shared>> -> memref<128x64xf32, #tpu.memory_space<vmem_shared>>
      tpu.wait_dma2 semaphore(%run_scoped3A : memref<!tpu.dma_semaphore, #tpu.memory_space<semaphore_mem>>) src(%arg8 : memref<128x64xf32, #tpu.memory_space<vmem>>) dst(%dma_wait3A_286 : memref<128x64xf32, #tpu.memory_space<vmem_shared>>)
      tpu.yield
    }) : () -> ()
    %mul3A_23 = arith.constant 640 : i32
    %mul3A_24 = arith.muli %arg1, %mul3A_23 : i32
    %add3A_25 = arith.constant 256 : i32
    %add3A_26 = arith.addi %mul3A_24, %add3A_25 : i32
    "tpu.region"() ({
      %run_scoped3A = tpu.sem_alloc : memref<!tpu.dma_semaphore, #tpu.memory_space<semaphore_mem>>
      %dma_start3A_279 = arith.constant 0 : i32
      %dma_start3A_280 = tpu.memref_slice %arg12[%add3A_26, %dma_start3A_279] : memref<10240x64xf32, #tpu.memory_space<vmem_shared>> -> memref<128x64xf32, #tpu.memory_space<vmem_shared>>
      %dma_start3A_281 = arith.constant 0 : i32
      %dma_start3A_282 = tpu.memref_slice %arg12[%add3A_26, %dma_start3A_281] : memref<10240x64xf32, #tpu.memory_space<vmem_shared>> -> memref<128x64xf32, #tpu.memory_space<vmem_shared>>
      tpu.enqueue_dma source(%arg8 : memref<128x64xf32, #tpu.memory_space<vmem>>) target(%dma_start3A_282 : memref<128x64xf32, #tpu.memory_space<vmem_shared>>) target_semaphore(%run_scoped3A : memref<!tpu.dma_semaphore, #tpu.memory_space<semaphore_mem>>)
      %dma_wait3A_283 = arith.constant 0 : i32
      %dma_wait3A_284 = tpu.memref_slice %arg12[%add3A_26, %dma_wait3A_283] : memref<10240x64xf32, #tpu.memory_space<vmem_shared>> -> memref<128x64xf32, #tpu.memory_space<vmem_shared>>
      %dma_wait3A_285 = arith.constant 0 : i32
      %dma_wait3A_286 = tpu.memref_slice %arg12[%add3A_26, %dma_wait3A_285] : memref<10240x64xf32, #tpu.memory_space<vmem_shared>> -> memref<128x64xf32, #tpu.memory_space<vmem_shared>>
      tpu.wait_dma2 semaphore(%run_scoped3A : memref<!tpu.dma_semaphore, #tpu.memory_space<semaphore_mem>>) src(%arg8 : memref<128x64xf32, #tpu.memory_space<vmem>>) dst(%dma_wait3A_286 : memref<128x64xf32, #tpu.memory_space<vmem_shared>>)
      tpu.yield
    }) : () -> ()
    %mul3A_27 = arith.constant 640 : i32
    %mul3A_28 = arith.muli %arg1, %mul3A_27 : i32
    %add3A_29 = arith.constant 384 : i32
    %add3A_30 = arith.addi %mul3A_28, %add3A_29 : i32
    "tpu.region"() ({
      %run_scoped3A = tpu.sem_alloc : memref<!tpu.dma_semaphore, #tpu.memory_space<semaphore_mem>>
      %dma_start3A_279 = arith.constant 0 : i32
      %dma_start3A_280 = tpu.memref_slice %arg12[%add3A_30, %dma_start3A_279] : memref<10240x64xf32, #tpu.memory_space<vmem_shared>> -> memref<128x64xf32, #tpu.memory_space<vmem_shared>>
      %dma_start3A_281 = arith.constant 0 : i32
      %dma_start3A_282 = tpu.memref_slice %arg12[%add3A_30, %dma_start3A_281] : memref<10240x64xf32, #tpu.memory_space<vmem_shared>> -> memref<128x64xf32, #tpu.memory_space<vmem_shared>>
      tpu.enqueue_dma source(%arg8 : memref<128x64xf32, #tpu.memory_space<vmem>>) target(%dma_start3A_282 : memref<128x64xf32, #tpu.memory_space<vmem_shared>>) target_semaphore(%run_scoped3A : memref<!tpu.dma_semaphore, #tpu.memory_space<semaphore_mem>>)
      %dma_wait3A_283 = arith.constant 0 : i32
      %dma_wait3A_284 = tpu.memref_slice %arg12[%add3A_30, %dma_wait3A_283] : memref<10240x64xf32, #tpu.memory_space<vmem_shared>> -> memref<128x64xf32, #tpu.memory_space<vmem_shared>>
      %dma_wait3A_285 = arith.constant 0 : i32
      %dma_wait3A_286 = tpu.memref_slice %arg12[%add3A_30, %dma_wait3A_285] : memref<10240x64xf32, #tpu.memory_space<vmem_shared>> -> memref<128x64xf32, #tpu.memory_space<vmem_shared>>
      tpu.wait_dma2 semaphore(%run_scoped3A : memref<!tpu.dma_semaphore, #tpu.memory_space<semaphore_mem>>) src(%arg8 : memref<128x64xf32, #tpu.memory_space<vmem>>) dst(%dma_wait3A_286 : memref<128x64xf32, #tpu.memory_space<vmem_shared>>)
      tpu.yield
    }) : () -> ()
    %mul3A_31 = arith.constant 640 : i32
    %mul3A_32 = arith.muli %arg1, %mul3A_31 : i32
    %add3A_33 = arith.constant 512 : i32
    %add3A_34 = arith.addi %mul3A_32, %add3A_33 : i32
    "tpu.region"() ({
      %run_scoped3A = tpu.sem_alloc : memref<!tpu.dma_semaphore, #tpu.memory_space<semaphore_mem>>
      %dma_start3A_279 = arith.constant 0 : i32
      %dma_start3A_280 = tpu.memref_slice %arg12[%add3A_34, %dma_start3A_279] : memref<10240x64xf32, #tpu.memory_space<vmem_shared>> -> memref<128x64xf32, #tpu.memory_space<vmem_shared>>
      %dma_start3A_281 = arith.constant 0 : i32
      %dma_start3A_282 = tpu.memref_slice %arg12[%add3A_34, %dma_start3A_281] : memref<10240x64xf32, #tpu.memory_space<vmem_shared>> -> memref<128x64xf32, #tpu.memory_space<vmem_shared>>
      tpu.enqueue_dma source(%arg8 : memref<128x64xf32, #tpu.memory_space<vmem>>) target(%dma_start3A_282 : memref<128x64xf32, #tpu.memory_space<vmem_shared>>) target_semaphore(%run_scoped3A : memref<!tpu.dma_semaphore, #tpu.memory_space<semaphore_mem>>)
      %dma_wait3A_283 = arith.constant 0 : i32
      %dma_wait3A_284 = tpu.memref_slice %arg12[%add3A_34, %dma_wait3A_283] : memref<10240x64xf32, #tpu.memory_space<vmem_shared>> -> memref<128x64xf32, #tpu.memory_space<vmem_shared>>
      %dma_wait3A_285 = arith.constant 0 : i32
      %dma_wait3A_286 = tpu.memref_slice %arg12[%add3A_34, %dma_wait3A_285] : memref<10240x64xf32, #tpu.memory_space<vmem_shared>> -> memref<128x64xf32, #tpu.memory_space<vmem_shared>>
      tpu.wait_dma2 semaphore(%run_scoped3A : memref<!tpu.dma_semaphore, #tpu.memory_space<semaphore_mem>>) src(%arg8 : memref<128x64xf32, #tpu.memory_space<vmem>>) dst(%dma_wait3A_286 : memref<128x64xf32, #tpu.memory_space<vmem_shared>>)
      tpu.yield
    }) : () -> ()
    %barrier3A = arith.constant 0 : index
    tpu.barrier barrier_id(%barrier3A)
    %dma_start3A = arith.constant 0 : i32
    %dma_start3A_35 = arith.constant 0 : i32
    %dma_start3A_36 = tpu.memref_slice %arg6[%dma_start3A, %dma_start3A_35] : memref<112x128xi32, #tpu.memory_space<vmem>> -> memref<1x128xi32, #tpu.memory_space<vmem>>
    %dma_start3A_37 = tpu.memref_squeeze %dma_start3A_36 : memref<1x128xi32, #tpu.memory_space<vmem>> -> memref<128xi32, #tpu.memory_space<vmem>>
    %dma_start3A_38 = arith.constant 0 : i32
    %dma_start3A_39 = arith.constant 0 : i32
    %dma_start3A_40 = tpu.memref_slice %arg2[%dma_start3A_38, %dma_start3A_39] : memref<10240x64xf32, #tpu.memory_space<hbm>> -> memref<10240x64xf32, #tpu.memory_space<hbm>>
    tpu.enqueue_indirect_dma source(%dma_start3A_40 : memref<10240x64xf32, #tpu.memory_space<hbm>>) target(%arg8 : memref<128x64xf32, #tpu.memory_space<vmem>>) offsets(%dma_start3A_37 : memref<128xi32, #tpu.memory_space<vmem>>) semaphore(%arg13 : memref<!tpu.dma_semaphore, #tpu.memory_space<semaphore_mem>>)
    %dma_start3A_41 = arith.constant 1 : i32
    %dma_start3A_42 = arith.constant 0 : i32
    %dma_start3A_43 = tpu.memref_slice %arg6[%dma_start3A_41, %dma_start3A_42] : memref<112x128xi32, #tpu.memory_space<vmem>> -> memref<1x128xi32, #tpu.memory_space<vmem>>
    %dma_start3A_44 = tpu.memref_squeeze %dma_start3A_43 : memref<1x128xi32, #tpu.memory_space<vmem>> -> memref<128xi32, #tpu.memory_space<vmem>>
    %dma_start3A_45 = arith.constant 0 : i32
    %dma_start3A_46 = arith.constant 0 : i32
    %dma_start3A_47 = tpu.memref_slice %arg2[%dma_start3A_45, %dma_start3A_46] : memref<10240x64xf32, #tpu.memory_space<hbm>> -> memref<10240x64xf32, #tpu.memory_space<hbm>>
    tpu.enqueue_indirect_dma source(%dma_start3A_47 : memref<10240x64xf32, #tpu.memory_space<hbm>>) target(%arg9 : memref<128x64xf32, #tpu.memory_space<vmem>>) offsets(%dma_start3A_44 : memref<128xi32, #tpu.memory_space<vmem>>) semaphore(%arg14 : memref<!tpu.dma_semaphore, #tpu.memory_space<semaphore_mem>>)
    %dma_wait3A = arith.constant 0 : i32
    %dma_wait3A_48 = arith.constant 0 : i32
    %dma_wait3A_49 = tpu.memref_slice %arg2[%dma_wait3A, %dma_wait3A_48] : memref<10240x64xf32, #tpu.memory_space<hbm>> -> memref<128x64xf32, #tpu.memory_space<hbm>>
    %dma_wait3A_50 = arith.constant 0 : i32
    %dma_wait3A_51 = arith.constant 0 : i32
    %dma_wait3A_52 = tpu.memref_slice %arg2[%dma_wait3A_50, %dma_wait3A_51] : memref<10240x64xf32, #tpu.memory_space<hbm>> -> memref<128x64xf32, #tpu.memory_space<hbm>>
    tpu.wait_dma2 semaphore(%arg13 : memref<!tpu.dma_semaphore, #tpu.memory_space<semaphore_mem>>) src(%dma_wait3A_52 : memref<128x64xf32, #tpu.memory_space<hbm>>) dst(%arg8 : memref<128x64xf32, #tpu.memory_space<vmem>>)
    %dma_start3A_53 = arith.constant 0 : i32
    %dma_start3A_54 = arith.constant 0 : i32
    %dma_start3A_55 = tpu.memref_slice %arg7[%dma_start3A_53, %dma_start3A_54] : memref<112x128xi32, #tpu.memory_space<vmem>> -> memref<1x128xi32, #tpu.memory_space<vmem>>
    %dma_start3A_56 = tpu.memref_squeeze %dma_start3A_55 : memref<1x128xi32, #tpu.memory_space<vmem>> -> memref<128xi32, #tpu.memory_space<vmem>>
    %dma_start3A_57 = arith.constant 0 : i32
    %dma_start3A_58 = arith.constant 0 : i32
    %dma_start3A_59 = tpu.memref_slice %arg12[%dma_start3A_57, %dma_start3A_58] : memref<10240x64xf32, #tpu.memory_space<vmem_shared>> -> memref<10240x64xf32, #tpu.memory_space<vmem_shared>>
    tpu.enqueue_indirect_dma source(%arg8 : memref<128x64xf32, #tpu.memory_space<vmem>>) target(%dma_start3A_59 : memref<10240x64xf32, #tpu.memory_space<vmem_shared>>) offsets(%dma_start3A_56 : memref<128xi32, #tpu.memory_space<vmem>>) semaphore(%arg17 : memref<!tpu.dma_semaphore, #tpu.memory_space<semaphore_mem>>) {add = true}
    %dma_start3A_60 = arith.constant 2 : i32
    %dma_start3A_61 = arith.constant 0 : i32
    %dma_start3A_62 = tpu.memref_slice %arg6[%dma_start3A_60, %dma_start3A_61] : memref<112x128xi32, #tpu.memory_space<vmem>> -> memref<1x128xi32, #tpu.memory_space<vmem>>
    %dma_start3A_63 = tpu.memref_squeeze %dma_start3A_62 : memref<1x128xi32, #tpu.memory_space<vmem>> -> memref<128xi32, #tpu.memory_space<vmem>>
    %dma_start3A_64 = arith.constant 0 : i32
    %dma_start3A_65 = arith.constant 0 : i32
    %dma_start3A_66 = tpu.memref_slice %arg2[%dma_start3A_64, %dma_start3A_65] : memref<10240x64xf32, #tpu.memory_space<hbm>> -> memref<10240x64xf32, #tpu.memory_space<hbm>>
    tpu.enqueue_indirect_dma source(%dma_start3A_66 : memref<10240x64xf32, #tpu.memory_space<hbm>>) target(%arg10 : memref<128x64xf32, #tpu.memory_space<vmem>>) offsets(%dma_start3A_63 : memref<128xi32, #tpu.memory_space<vmem>>) semaphore(%arg15 : memref<!tpu.dma_semaphore, #tpu.memory_space<semaphore_mem>>)
    %dma_wait3A_67 = arith.constant 0 : i32
    %dma_wait3A_68 = arith.constant 0 : i32
    %dma_wait3A_69 = tpu.memref_slice %arg2[%dma_wait3A_67, %dma_wait3A_68] : memref<10240x64xf32, #tpu.memory_space<hbm>> -> memref<128x64xf32, #tpu.memory_space<hbm>>
    %dma_wait3A_70 = arith.constant 0 : i32
    %dma_wait3A_71 = arith.constant 0 : i32
    %dma_wait3A_72 = tpu.memref_slice %arg2[%dma_wait3A_70, %dma_wait3A_71] : memref<10240x64xf32, #tpu.memory_space<hbm>> -> memref<128x64xf32, #tpu.memory_space<hbm>>
    tpu.wait_dma2 semaphore(%arg14 : memref<!tpu.dma_semaphore, #tpu.memory_space<semaphore_mem>>) src(%dma_wait3A_72 : memref<128x64xf32, #tpu.memory_space<hbm>>) dst(%arg9 : memref<128x64xf32, #tpu.memory_space<vmem>>)
    %dma_start3A_73 = arith.constant 1 : i32
    %dma_start3A_74 = arith.constant 0 : i32
    %dma_start3A_75 = tpu.memref_slice %arg7[%dma_start3A_73, %dma_start3A_74] : memref<112x128xi32, #tpu.memory_space<vmem>> -> memref<1x128xi32, #tpu.memory_space<vmem>>
    %dma_start3A_76 = tpu.memref_squeeze %dma_start3A_75 : memref<1x128xi32, #tpu.memory_space<vmem>> -> memref<128xi32, #tpu.memory_space<vmem>>
    %dma_start3A_77 = arith.constant 0 : i32
    %dma_start3A_78 = arith.constant 0 : i32
    %dma_start3A_79 = tpu.memref_slice %arg12[%dma_start3A_77, %dma_start3A_78] : memref<10240x64xf32, #tpu.memory_space<vmem_shared>> -> memref<10240x64xf32, #tpu.memory_space<vmem_shared>>
    tpu.enqueue_indirect_dma source(%arg9 : memref<128x64xf32, #tpu.memory_space<vmem>>) target(%dma_start3A_79 : memref<10240x64xf32, #tpu.memory_space<vmem_shared>>) offsets(%dma_start3A_76 : memref<128xi32, #tpu.memory_space<vmem>>) semaphore(%arg18 : memref<!tpu.dma_semaphore, #tpu.memory_space<semaphore_mem>>) {add = true}
    %dma_start3A_80 = arith.constant 3 : i32
    %dma_start3A_81 = arith.constant 0 : i32
    %dma_start3A_82 = tpu.memref_slice %arg6[%dma_start3A_80, %dma_start3A_81] : memref<112x128xi32, #tpu.memory_space<vmem>> -> memref<1x128xi32, #tpu.memory_space<vmem>>
    %dma_start3A_83 = tpu.memref_squeeze %dma_start3A_82 : memref<1x128xi32, #tpu.memory_space<vmem>> -> memref<128xi32, #tpu.memory_space<vmem>>
    %dma_start3A_84 = arith.constant 0 : i32
    %dma_start3A_85 = arith.constant 0 : i32
    %dma_start3A_86 = tpu.memref_slice %arg2[%dma_start3A_84, %dma_start3A_85] : memref<10240x64xf32, #tpu.memory_space<hbm>> -> memref<10240x64xf32, #tpu.memory_space<hbm>>
    tpu.enqueue_indirect_dma source(%dma_start3A_86 : memref<10240x64xf32, #tpu.memory_space<hbm>>) target(%arg11 : memref<128x64xf32, #tpu.memory_space<vmem>>) offsets(%dma_start3A_83 : memref<128xi32, #tpu.memory_space<vmem>>) semaphore(%arg16 : memref<!tpu.dma_semaphore, #tpu.memory_space<semaphore_mem>>)
    %dma_wait3A_87 = arith.constant 0 : i32
    %dma_wait3A_88 = arith.constant 0 : i32
    %dma_wait3A_89 = tpu.memref_slice %arg2[%dma_wait3A_87, %dma_wait3A_88] : memref<10240x64xf32, #tpu.memory_space<hbm>> -> memref<128x64xf32, #tpu.memory_space<hbm>>
    %dma_wait3A_90 = arith.constant 0 : i32
    %dma_wait3A_91 = arith.constant 0 : i32
    %dma_wait3A_92 = tpu.memref_slice %arg2[%dma_wait3A_90, %dma_wait3A_91] : memref<10240x64xf32, #tpu.memory_space<hbm>> -> memref<128x64xf32, #tpu.memory_space<hbm>>
    tpu.wait_dma2 semaphore(%arg15 : memref<!tpu.dma_semaphore, #tpu.memory_space<semaphore_mem>>) src(%dma_wait3A_92 : memref<128x64xf32, #tpu.memory_space<hbm>>) dst(%arg10 : memref<128x64xf32, #tpu.memory_space<vmem>>)
    %dma_start3A_93 = arith.constant 2 : i32
    %dma_start3A_94 = arith.constant 0 : i32
    %dma_start3A_95 = tpu.memref_slice %arg7[%dma_start3A_93, %dma_start3A_94] : memref<112x128xi32, #tpu.memory_space<vmem>> -> memref<1x128xi32, #tpu.memory_space<vmem>>
    %dma_start3A_96 = tpu.memref_squeeze %dma_start3A_95 : memref<1x128xi32, #tpu.memory_space<vmem>> -> memref<128xi32, #tpu.memory_space<vmem>>
    %dma_start3A_97 = arith.constant 0 : i32
    %dma_start3A_98 = arith.constant 0 : i32
    %dma_start3A_99 = tpu.memref_slice %arg12[%dma_start3A_97, %dma_start3A_98] : memref<10240x64xf32, #tpu.memory_space<vmem_shared>> -> memref<10240x64xf32, #tpu.memory_space<vmem_shared>>
    tpu.enqueue_indirect_dma source(%arg10 : memref<128x64xf32, #tpu.memory_space<vmem>>) target(%dma_start3A_99 : memref<10240x64xf32, #tpu.memory_space<vmem_shared>>) offsets(%dma_start3A_96 : memref<128xi32, #tpu.memory_space<vmem>>) semaphore(%arg19 : memref<!tpu.dma_semaphore, #tpu.memory_space<semaphore_mem>>) {add = true}
    %dma_wait3A_100 = arith.constant 0 : i32
    %dma_wait3A_101 = arith.constant 0 : i32
    %dma_wait3A_102 = tpu.memref_slice %arg2[%dma_wait3A_100, %dma_wait3A_101] : memref<10240x64xf32, #tpu.memory_space<hbm>> -> memref<128x64xf32, #tpu.memory_space<hbm>>
    %dma_wait3A_103 = arith.constant 0 : i32
    %dma_wait3A_104 = arith.constant 0 : i32
    %dma_wait3A_105 = tpu.memref_slice %arg2[%dma_wait3A_103, %dma_wait3A_104] : memref<10240x64xf32, #tpu.memory_space<hbm>> -> memref<128x64xf32, #tpu.memory_space<hbm>>
    tpu.wait_dma2 semaphore(%arg17 : memref<!tpu.dma_semaphore, #tpu.memory_space<semaphore_mem>>) src(%dma_wait3A_105 : memref<128x64xf32, #tpu.memory_space<hbm>>) dst(%arg8 : memref<128x64xf32, #tpu.memory_space<vmem>>)
    %dma_start3A_106 = arith.constant 4 : i32
    %dma_start3A_107 = arith.constant 0 : i32
    %dma_start3A_108 = tpu.memref_slice %arg6[%dma_start3A_106, %dma_start3A_107] : memref<112x128xi32, #tpu.memory_space<vmem>> -> memref<1x128xi32, #tpu.memory_space<vmem>>
    %dma_start3A_109 = tpu.memref_squeeze %dma_start3A_108 : memref<1x128xi32, #tpu.memory_space<vmem>> -> memref<128xi32, #tpu.memory_space<vmem>>
    %dma_start3A_110 = arith.constant 0 : i32
    %dma_start3A_111 = arith.constant 0 : i32
    %dma_start3A_112 = tpu.memref_slice %arg2[%dma_start3A_110, %dma_start3A_111] : memref<10240x64xf32, #tpu.memory_space<hbm>> -> memref<10240x64xf32, #tpu.memory_space<hbm>>
    tpu.enqueue_indirect_dma source(%dma_start3A_112 : memref<10240x64xf32, #tpu.memory_space<hbm>>) target(%arg8 : memref<128x64xf32, #tpu.memory_space<vmem>>) offsets(%dma_start3A_109 : memref<128xi32, #tpu.memory_space<vmem>>) semaphore(%arg13 : memref<!tpu.dma_semaphore, #tpu.memory_space<semaphore_mem>>)
    %dma_wait3A_113 = arith.constant 0 : i32
    %dma_wait3A_114 = arith.constant 0 : i32
    %dma_wait3A_115 = tpu.memref_slice %arg2[%dma_wait3A_113, %dma_wait3A_114] : memref<10240x64xf32, #tpu.memory_space<hbm>> -> memref<128x64xf32, #tpu.memory_space<hbm>>
    %dma_wait3A_116 = arith.constant 0 : i32
    %dma_wait3A_117 = arith.constant 0 : i32
    %dma_wait3A_118 = tpu.memref_slice %arg2[%dma_wait3A_116, %dma_wait3A_117] : memref<10240x64xf32, #tpu.memory_space<hbm>> -> memref<128x64xf32, #tpu.memory_space<hbm>>
    tpu.wait_dma2 semaphore(%arg16 : memref<!tpu.dma_semaphore, #tpu.memory_space<semaphore_mem>>) src(%dma_wait3A_118 : memref<128x64xf32, #tpu.memory_space<hbm>>) dst(%arg11 : memref<128x64xf32, #tpu.memory_space<vmem>>)
    %dma_start3A_119 = arith.constant 3 : i32
    %dma_start3A_120 = arith.constant 0 : i32
    %dma_start3A_121 = tpu.memref_slice %arg7[%dma_start3A_119, %dma_start3A_120] : memref<112x128xi32, #tpu.memory_space<vmem>> -> memref<1x128xi32, #tpu.memory_space<vmem>>
    %dma_start3A_122 = tpu.memref_squeeze %dma_start3A_121 : memref<1x128xi32, #tpu.memory_space<vmem>> -> memref<128xi32, #tpu.memory_space<vmem>>
    %dma_start3A_123 = arith.constant 0 : i32
    %dma_start3A_124 = arith.constant 0 : i32
    %dma_start3A_125 = tpu.memref_slice %arg12[%dma_start3A_123, %dma_start3A_124] : memref<10240x64xf32, #tpu.memory_space<vmem_shared>> -> memref<10240x64xf32, #tpu.memory_space<vmem_shared>>
    tpu.enqueue_indirect_dma source(%arg11 : memref<128x64xf32, #tpu.memory_space<vmem>>) target(%dma_start3A_125 : memref<10240x64xf32, #tpu.memory_space<vmem_shared>>) offsets(%dma_start3A_122 : memref<128xi32, #tpu.memory_space<vmem>>) semaphore(%arg20 : memref<!tpu.dma_semaphore, #tpu.memory_space<semaphore_mem>>) {add = true}
    %dma_wait3A_126 = arith.constant 0 : i32
    %dma_wait3A_127 = arith.constant 0 : i32
    %dma_wait3A_128 = tpu.memref_slice %arg2[%dma_wait3A_126, %dma_wait3A_127] : memref<10240x64xf32, #tpu.memory_space<hbm>> -> memref<128x64xf32, #tpu.memory_space<hbm>>
    %dma_wait3A_129 = arith.constant 0 : i32
    %dma_wait3A_130 = arith.constant 0 : i32
    %dma_wait3A_131 = tpu.memref_slice %arg2[%dma_wait3A_129, %dma_wait3A_130] : memref<10240x64xf32, #tpu.memory_space<hbm>> -> memref<128x64xf32, #tpu.memory_space<hbm>>
    tpu.wait_dma2 semaphore(%arg18 : memref<!tpu.dma_semaphore, #tpu.memory_space<semaphore_mem>>) src(%dma_wait3A_131 : memref<128x64xf32, #tpu.memory_space<hbm>>) dst(%arg9 : memref<128x64xf32, #tpu.memory_space<vmem>>)
    %dma_start3A_132 = arith.constant 5 : i32
    %dma_start3A_133 = arith.constant 0 : i32
    %dma_start3A_134 = tpu.memref_slice %arg6[%dma_start3A_132, %dma_start3A_133] : memref<112x128xi32, #tpu.memory_space<vmem>> -> memref<1x128xi32, #tpu.memory_space<vmem>>
    %dma_start3A_135 = tpu.memref_squeeze %dma_start3A_134 : memref<1x128xi32, #tpu.memory_space<vmem>> -> memref<128xi32, #tpu.memory_space<vmem>>
    %dma_start3A_136 = arith.constant 0 : i32
    %dma_start3A_137 = arith.constant 0 : i32
    %dma_start3A_138 = tpu.memref_slice %arg2[%dma_start3A_136, %dma_start3A_137] : memref<10240x64xf32, #tpu.memory_space<hbm>> -> memref<10240x64xf32, #tpu.memory_space<hbm>>
    tpu.enqueue_indirect_dma source(%dma_start3A_138 : memref<10240x64xf32, #tpu.memory_space<hbm>>) target(%arg9 : memref<128x64xf32, #tpu.memory_space<vmem>>) offsets(%dma_start3A_135 : memref<128xi32, #tpu.memory_space<vmem>>) semaphore(%arg14 : memref<!tpu.dma_semaphore, #tpu.memory_space<semaphore_mem>>)
    %sub3A = arith.constant 8 : i32
    %sub3A_139 = arith.subi %select_n3A, %sub3A : i32
    %jit3A_140 = arith.constant 4 : i32
    %div3A = arith.divsi %sub3A_139, %jit3A_140 : i32
    %sign3A = arith.constant 0 : i32
    %sign3A_141 = arith.cmpi sgt, %sub3A_139, %sign3A : i32
    %sign3A_142 = arith.extui %sign3A_141 : i1 to i32
    %sign3A_143 = arith.constant 0 : i32
    %sign3A_144 = arith.cmpi slt, %sub3A_139, %sign3A_143 : i32
    %sign3A_145 = arith.extui %sign3A_144 : i1 to i32
    %sign3A_146 = arith.subi %sign3A_142, %sign3A_145 : i32
    %sign3A_147 = arith.constant 0 : i32
    %sign3A_148 = arith.cmpi sgt, %jit3A_140, %sign3A_147 : i32
    %sign3A_149 = arith.extui %sign3A_148 : i1 to i32
    %sign3A_150 = arith.constant 0 : i32
    %sign3A_151 = arith.cmpi slt, %jit3A_140, %sign3A_150 : i32
    %sign3A_152 = arith.extui %sign3A_151 : i1 to i32
    %sign3A_153 = arith.subi %sign3A_149, %sign3A_152 : i32
    %ne3A = arith.cmpi ne, %sign3A_146, %sign3A_153 : i32
    %rem3A = arith.remsi %sub3A_139, %jit3A_140 : i32
    %ne3A_154 = arith.constant 0 : i32
    %ne3A_155 = arith.cmpi ne, %rem3A, %ne3A_154 : i32
    %and3A = arith.andi %ne3A, %ne3A_155 : i1
    %sub3A_156 = arith.constant 1 : i32
    %sub3A_157 = arith.subi %div3A, %sub3A_156 : i32
    %select_n3A_158 = arith.select %and3A, %sub3A_157, %div3A : i32
    %while3A = arith.constant 0 : i32
    %while3A_159 = arith.constant 0 : i32
    %while3A_160 = arith.subi %select_n3A_158, %while3A_159 : i32
    %while3A_161 = arith.addi %while3A_159, %while3A_160 : i32
    %while3A_162 = arith.constant 1 : i32
    %while3A_163 = arith.divsi %while3A_160, %while3A_162 : i32
    %while3A_164 = arith.muli %while3A_163, %while3A_162 : i32
    %while3A_165 = arith.addi %while3A_159, %while3A_164 : i32
    %while3A_166 = arith.constant 1 : i32
    scf.for %while3A_279 = %while3A_159 to %while3A_165 step %while3A_166  : i32 {
      %mul3A_280 = arith.constant 4 : i32
      %mul3A_281 = arith.muli %mul3A_280, %while3A_279 : i32
      %add3A_282 = arith.constant 4 : i32
      %add3A_283 = arith.addi %add3A_282, %mul3A_281 : i32
      %dma_wait3A_284 = arith.constant 0 : i32
      %dma_wait3A_285 = arith.constant 0 : i32
      %dma_wait3A_286 = tpu.memref_slice %arg2[%dma_wait3A_284, %dma_wait3A_285] : memref<10240x64xf32, #tpu.memory_space<hbm>> -> memref<128x64xf32, #tpu.memory_space<hbm>>
      %dma_wait3A_287 = arith.constant 0 : i32
      %dma_wait3A_288 = arith.constant 0 : i32
      %dma_wait3A_289 = tpu.memref_slice %arg2[%dma_wait3A_287, %dma_wait3A_288] : memref<10240x64xf32, #tpu.memory_space<hbm>> -> memref<128x64xf32, #tpu.memory_space<hbm>>
      tpu.wait_dma2 semaphore(%arg13 : memref<!tpu.dma_semaphore, #tpu.memory_space<semaphore_mem>>) src(%dma_wait3A_289 : memref<128x64xf32, #tpu.memory_space<hbm>>) dst(%arg8 : memref<128x64xf32, #tpu.memory_space<vmem>>)
      %dma_start3A_290 = arith.constant 0 : i32
      %dma_start3A_291 = tpu.memref_slice %arg7[%add3A_283, %dma_start3A_290] : memref<112x128xi32, #tpu.memory_space<vmem>> -> memref<1x128xi32, #tpu.memory_space<vmem>>
      %dma_start3A_292 = tpu.memref_squeeze %dma_start3A_291 : memref<1x128xi32, #tpu.memory_space<vmem>> -> memref<128xi32, #tpu.memory_space<vmem>>
      %dma_start3A_293 = arith.constant 0 : i32
      %dma_start3A_294 = arith.constant 0 : i32
      %dma_start3A_295 = tpu.memref_slice %arg12[%dma_start3A_293, %dma_start3A_294] : memref<10240x64xf32, #tpu.memory_space<vmem_shared>> -> memref<10240x64xf32, #tpu.memory_space<vmem_shared>>
      tpu.enqueue_indirect_dma source(%arg8 : memref<128x64xf32, #tpu.memory_space<vmem>>) target(%dma_start3A_295 : memref<10240x64xf32, #tpu.memory_space<vmem_shared>>) offsets(%dma_start3A_292 : memref<128xi32, #tpu.memory_space<vmem>>) semaphore(%arg17 : memref<!tpu.dma_semaphore, #tpu.memory_space<semaphore_mem>>) {add = true}
      %dma_wait3A_296 = arith.constant 0 : i32
      %dma_wait3A_297 = arith.constant 0 : i32
      %dma_wait3A_298 = tpu.memref_slice %arg2[%dma_wait3A_296, %dma_wait3A_297] : memref<10240x64xf32, #tpu.memory_space<hbm>> -> memref<128x64xf32, #tpu.memory_space<hbm>>
      %dma_wait3A_299 = arith.constant 0 : i32
      %dma_wait3A_300 = arith.constant 0 : i32
      %dma_wait3A_301 = tpu.memref_slice %arg2[%dma_wait3A_299, %dma_wait3A_300] : memref<10240x64xf32, #tpu.memory_space<hbm>> -> memref<128x64xf32, #tpu.memory_space<hbm>>
      tpu.wait_dma2 semaphore(%arg19 : memref<!tpu.dma_semaphore, #tpu.memory_space<semaphore_mem>>) src(%dma_wait3A_301 : memref<128x64xf32, #tpu.memory_space<hbm>>) dst(%arg10 : memref<128x64xf32, #tpu.memory_space<vmem>>)
      %add3A_302 = arith.constant 2 : i32
      %add3A_303 = arith.addi %add3A_283, %add3A_302 : i32
      %dma_start3A_304 = arith.constant 0 : i32
      %dma_start3A_305 = tpu.memref_slice %arg6[%add3A_303, %dma_start3A_304] : memref<112x128xi32, #tpu.memory_space<vmem>> -> memref<1x128xi32, #tpu.memory_space<vmem>>
      %dma_start3A_306 = tpu.memref_squeeze %dma_start3A_305 : memref<1x128xi32, #tpu.memory_space<vmem>> -> memref<128xi32, #tpu.memory_space<vmem>>
      %dma_start3A_307 = arith.constant 0 : i32
      %dma_start3A_308 = arith.constant 0 : i32
      %dma_start3A_309 = tpu.memref_slice %arg2[%dma_start3A_307, %dma_start3A_308] : memref<10240x64xf32, #tpu.memory_space<hbm>> -> memref<10240x64xf32, #tpu.memory_space<hbm>>
      tpu.enqueue_indirect_dma source(%dma_start3A_309 : memref<10240x64xf32, #tpu.memory_space<hbm>>) target(%arg10 : memref<128x64xf32, #tpu.memory_space<vmem>>) offsets(%dma_start3A_306 : memref<128xi32, #tpu.memory_space<vmem>>) semaphore(%arg15 : memref<!tpu.dma_semaphore, #tpu.memory_space<semaphore_mem>>)
      %add3A_310 = arith.constant 1 : i32
      %add3A_311 = arith.addi %add3A_283, %add3A_310 : i32
      %dma_wait3A_312 = arith.constant 0 : i32
      %dma_wait3A_313 = arith.constant 0 : i32
      %dma_wait3A_314 = tpu.memref_slice %arg2[%dma_wait3A_312, %dma_wait3A_313] : memref<10240x64xf32, #tpu.memory_space<hbm>> -> memref<128x64xf32, #tpu.memory_space<hbm>>
      %dma_wait3A_315 = arith.constant 0 : i32
      %dma_wait3A_316 = arith.constant 0 : i32
      %dma_wait3A_317 = tpu.memref_slice %arg2[%dma_wait3A_315, %dma_wait3A_316] : memref<10240x64xf32, #tpu.memory_space<hbm>> -> memref<128x64xf32, #tpu.memory_space<hbm>>
      tpu.wait_dma2 semaphore(%arg14 : memref<!tpu.dma_semaphore, #tpu.memory_space<semaphore_mem>>) src(%dma_wait3A_317 : memref<128x64xf32, #tpu.memory_space<hbm>>) dst(%arg9 : memref<128x64xf32, #tpu.memory_space<vmem>>)
      %dma_start3A_318 = arith.constant 0 : i32
      %dma_start3A_319 = tpu.memref_slice %arg7[%add3A_311, %dma_start3A_318] : memref<112x128xi32, #tpu.memory_space<vmem>> -> memref<1x128xi32, #tpu.memory_space<vmem>>
      %dma_start3A_320 = tpu.memref_squeeze %dma_start3A_319 : memref<1x128xi32, #tpu.memory_space<vmem>> -> memref<128xi32, #tpu.memory_space<vmem>>
      %dma_start3A_321 = arith.constant 0 : i32
      %dma_start3A_322 = arith.constant 0 : i32
      %dma_start3A_323 = tpu.memref_slice %arg12[%dma_start3A_321, %dma_start3A_322] : memref<10240x64xf32, #tpu.memory_space<vmem_shared>> -> memref<10240x64xf32, #tpu.memory_space<vmem_shared>>
      tpu.enqueue_indirect_dma source(%arg9 : memref<128x64xf32, #tpu.memory_space<vmem>>) target(%dma_start3A_323 : memref<10240x64xf32, #tpu.memory_space<vmem_shared>>) offsets(%dma_start3A_320 : memref<128xi32, #tpu.memory_space<vmem>>) semaphore(%arg18 : memref<!tpu.dma_semaphore, #tpu.memory_space<semaphore_mem>>) {add = true}
      %dma_wait3A_324 = arith.constant 0 : i32
      %dma_wait3A_325 = arith.constant 0 : i32
      %dma_wait3A_326 = tpu.memref_slice %arg2[%dma_wait3A_324, %dma_wait3A_325] : memref<10240x64xf32, #tpu.memory_space<hbm>> -> memref<128x64xf32, #tpu.memory_space<hbm>>
      %dma_wait3A_327 = arith.constant 0 : i32
      %dma_wait3A_328 = arith.constant 0 : i32
      %dma_wait3A_329 = tpu.memref_slice %arg2[%dma_wait3A_327, %dma_wait3A_328] : memref<10240x64xf32, #tpu.memory_space<hbm>> -> memref<128x64xf32, #tpu.memory_space<hbm>>
      tpu.wait_dma2 semaphore(%arg20 : memref<!tpu.dma_semaphore, #tpu.memory_space<semaphore_mem>>) src(%dma_wait3A_329 : memref<128x64xf32, #tpu.memory_space<hbm>>) dst(%arg11 : memref<128x64xf32, #tpu.memory_space<vmem>>)
      %add3A_330 = arith.constant 2 : i32
      %add3A_331 = arith.addi %add3A_311, %add3A_330 : i32
      %dma_start3A_332 = arith.constant 0 : i32
      %dma_start3A_333 = tpu.memref_slice %arg6[%add3A_331, %dma_start3A_332] : memref<112x128xi32, #tpu.memory_space<vmem>> -> memref<1x128xi32, #tpu.memory_space<vmem>>
      %dma_start3A_334 = tpu.memref_squeeze %dma_start3A_333 : memref<1x128xi32, #tpu.memory_space<vmem>> -> memref<128xi32, #tpu.memory_space<vmem>>
      %dma_start3A_335 = arith.constant 0 : i32
      %dma_start3A_336 = arith.constant 0 : i32
      %dma_start3A_337 = tpu.memref_slice %arg2[%dma_start3A_335, %dma_start3A_336] : memref<10240x64xf32, #tpu.memory_space<hbm>> -> memref<10240x64xf32, #tpu.memory_space<hbm>>
      tpu.enqueue_indirect_dma source(%dma_start3A_337 : memref<10240x64xf32, #tpu.memory_space<hbm>>) target(%arg11 : memref<128x64xf32, #tpu.memory_space<vmem>>) offsets(%dma_start3A_334 : memref<128xi32, #tpu.memory_space<vmem>>) semaphore(%arg16 : memref<!tpu.dma_semaphore, #tpu.memory_space<semaphore_mem>>)
      %add3A_338 = arith.constant 2 : i32
      %add3A_339 = arith.addi %add3A_283, %add3A_338 : i32
      %dma_wait3A_340 = arith.constant 0 : i32
      %dma_wait3A_341 = arith.constant 0 : i32
      %dma_wait3A_342 = tpu.memref_slice %arg2[%dma_wait3A_340, %dma_wait3A_341] : memref<10240x64xf32, #tpu.memory_space<hbm>> -> memref<128x64xf32, #tpu.memory_space<hbm>>
      %dma_wait3A_343 = arith.constant 0 : i32
      %dma_wait3A_344 = arith.constant 0 : i32
      %dma_wait3A_345 = tpu.memref_slice %arg2[%dma_wait3A_343, %dma_wait3A_344] : memref<10240x64xf32, #tpu.memory_space<hbm>> -> memref<128x64xf32, #tpu.memory_space<hbm>>
      tpu.wait_dma2 semaphore(%arg15 : memref<!tpu.dma_semaphore, #tpu.memory_space<semaphore_mem>>) src(%dma_wait3A_345 : memref<128x64xf32, #tpu.memory_space<hbm>>) dst(%arg10 : memref<128x64xf32, #tpu.memory_space<vmem>>)
      %dma_start3A_346 = arith.constant 0 : i32
      %dma_start3A_347 = tpu.memref_slice %arg7[%add3A_339, %dma_start3A_346] : memref<112x128xi32, #tpu.memory_space<vmem>> -> memref<1x128xi32, #tpu.memory_space<vmem>>
      %dma_start3A_348 = tpu.memref_squeeze %dma_start3A_347 : memref<1x128xi32, #tpu.memory_space<vmem>> -> memref<128xi32, #tpu.memory_space<vmem>>
      %dma_start3A_349 = arith.constant 0 : i32
      %dma_start3A_350 = arith.constant 0 : i32
      %dma_start3A_351 = tpu.memref_slice %arg12[%dma_start3A_349, %dma_start3A_350] : memref<10240x64xf32, #tpu.memory_space<vmem_shared>> -> memref<10240x64xf32, #tpu.memory_space<vmem_shared>>
      tpu.enqueue_indirect_dma source(%arg10 : memref<128x64xf32, #tpu.memory_space<vmem>>) target(%dma_start3A_351 : memref<10240x64xf32, #tpu.memory_space<vmem_shared>>) offsets(%dma_start3A_348 : memref<128xi32, #tpu.memory_space<vmem>>) semaphore(%arg19 : memref<!tpu.dma_semaphore, #tpu.memory_space<semaphore_mem>>) {add = true}
      %dma_wait3A_352 = arith.constant 0 : i32
      %dma_wait3A_353 = arith.constant 0 : i32
      %dma_wait3A_354 = tpu.memref_slice %arg2[%dma_wait3A_352, %dma_wait3A_353] : memref<10240x64xf32, #tpu.memory_space<hbm>> -> memref<128x64xf32, #tpu.memory_space<hbm>>
      %dma_wait3A_355 = arith.constant 0 : i32
      %dma_wait3A_356 = arith.constant 0 : i32
      %dma_wait3A_357 = tpu.memref_slice %arg2[%dma_wait3A_355, %dma_wait3A_356] : memref<10240x64xf32, #tpu.memory_space<hbm>> -> memref<128x64xf32, #tpu.memory_space<hbm>>
      tpu.wait_dma2 semaphore(%arg17 : memref<!tpu.dma_semaphore, #tpu.memory_space<semaphore_mem>>) src(%dma_wait3A_357 : memref<128x64xf32, #tpu.memory_space<hbm>>) dst(%arg8 : memref<128x64xf32, #tpu.memory_space<vmem>>)
      %add3A_358 = arith.constant 2 : i32
      %add3A_359 = arith.addi %add3A_339, %add3A_358 : i32
      %dma_start3A_360 = arith.constant 0 : i32
      %dma_start3A_361 = tpu.memref_slice %arg6[%add3A_359, %dma_start3A_360] : memref<112x128xi32, #tpu.memory_space<vmem>> -> memref<1x128xi32, #tpu.memory_space<vmem>>
      %dma_start3A_362 = tpu.memref_squeeze %dma_start3A_361 : memref<1x128xi32, #tpu.memory_space<vmem>> -> memref<128xi32, #tpu.memory_space<vmem>>
      %dma_start3A_363 = arith.constant 0 : i32
      %dma_start3A_364 = arith.constant 0 : i32
      %dma_start3A_365 = tpu.memref_slice %arg2[%dma_start3A_363, %dma_start3A_364] : memref<10240x64xf32, #tpu.memory_space<hbm>> -> memref<10240x64xf32, #tpu.memory_space<hbm>>
      tpu.enqueue_indirect_dma source(%dma_start3A_365 : memref<10240x64xf32, #tpu.memory_space<hbm>>) target(%arg8 : memref<128x64xf32, #tpu.memory_space<vmem>>) offsets(%dma_start3A_362 : memref<128xi32, #tpu.memory_space<vmem>>) semaphore(%arg13 : memref<!tpu.dma_semaphore, #tpu.memory_space<semaphore_mem>>)
      %add3A_366 = arith.constant 3 : i32
      %add3A_367 = arith.addi %add3A_283, %add3A_366 : i32
      %dma_wait3A_368 = arith.constant 0 : i32
      %dma_wait3A_369 = arith.constant 0 : i32
      %dma_wait3A_370 = tpu.memref_slice %arg2[%dma_wait3A_368, %dma_wait3A_369] : memref<10240x64xf32, #tpu.memory_space<hbm>> -> memref<128x64xf32, #tpu.memory_space<hbm>>
      %dma_wait3A_371 = arith.constant 0 : i32
      %dma_wait3A_372 = arith.constant 0 : i32
      %dma_wait3A_373 = tpu.memref_slice %arg2[%dma_wait3A_371, %dma_wait3A_372] : memref<10240x64xf32, #tpu.memory_space<hbm>> -> memref<128x64xf32, #tpu.memory_space<hbm>>
      tpu.wait_dma2 semaphore(%arg16 : memref<!tpu.dma_semaphore, #tpu.memory_space<semaphore_mem>>) src(%dma_wait3A_373 : memref<128x64xf32, #tpu.memory_space<hbm>>) dst(%arg11 : memref<128x64xf32, #tpu.memory_space<vmem>>)
      %dma_start3A_374 = arith.constant 0 : i32
      %dma_start3A_375 = tpu.memref_slice %arg7[%add3A_367, %dma_start3A_374] : memref<112x128xi32, #tpu.memory_space<vmem>> -> memref<1x128xi32, #tpu.memory_space<vmem>>
      %dma_start3A_376 = tpu.memref_squeeze %dma_start3A_375 : memref<1x128xi32, #tpu.memory_space<vmem>> -> memref<128xi32, #tpu.memory_space<vmem>>
      %dma_start3A_377 = arith.constant 0 : i32
      %dma_start3A_378 = arith.constant 0 : i32
      %dma_start3A_379 = tpu.memref_slice %arg12[%dma_start3A_377, %dma_start3A_378] : memref<10240x64xf32, #tpu.memory_space<vmem_shared>> -> memref<10240x64xf32, #tpu.memory_space<vmem_shared>>
      tpu.enqueue_indirect_dma source(%arg11 : memref<128x64xf32, #tpu.memory_space<vmem>>) target(%dma_start3A_379 : memref<10240x64xf32, #tpu.memory_space<vmem_shared>>) offsets(%dma_start3A_376 : memref<128xi32, #tpu.memory_space<vmem>>) semaphore(%arg20 : memref<!tpu.dma_semaphore, #tpu.memory_space<semaphore_mem>>) {add = true}
      %dma_wait3A_380 = arith.constant 0 : i32
      %dma_wait3A_381 = arith.constant 0 : i32
      %dma_wait3A_382 = tpu.memref_slice %arg2[%dma_wait3A_380, %dma_wait3A_381] : memref<10240x64xf32, #tpu.memory_space<hbm>> -> memref<128x64xf32, #tpu.memory_space<hbm>>
      %dma_wait3A_383 = arith.constant 0 : i32
      %dma_wait3A_384 = arith.constant 0 : i32
      %dma_wait3A_385 = tpu.memref_slice %arg2[%dma_wait3A_383, %dma_wait3A_384] : memref<10240x64xf32, #tpu.memory_space<hbm>> -> memref<128x64xf32, #tpu.memory_space<hbm>>
      tpu.wait_dma2 semaphore(%arg18 : memref<!tpu.dma_semaphore, #tpu.memory_space<semaphore_mem>>) src(%dma_wait3A_385 : memref<128x64xf32, #tpu.memory_space<hbm>>) dst(%arg9 : memref<128x64xf32, #tpu.memory_space<vmem>>)
      %add3A_386 = arith.constant 2 : i32
      %add3A_387 = arith.addi %add3A_367, %add3A_386 : i32
      %dma_start3A_388 = arith.constant 0 : i32
      %dma_start3A_389 = tpu.memref_slice %arg6[%add3A_387, %dma_start3A_388] : memref<112x128xi32, #tpu.memory_space<vmem>> -> memref<1x128xi32, #tpu.memory_space<vmem>>
      %dma_start3A_390 = tpu.memref_squeeze %dma_start3A_389 : memref<1x128xi32, #tpu.memory_space<vmem>> -> memref<128xi32, #tpu.memory_space<vmem>>
      %dma_start3A_391 = arith.constant 0 : i32
      %dma_start3A_392 = arith.constant 0 : i32
      %dma_start3A_393 = tpu.memref_slice %arg2[%dma_start3A_391, %dma_start3A_392] : memref<10240x64xf32, #tpu.memory_space<hbm>> -> memref<10240x64xf32, #tpu.memory_space<hbm>>
      tpu.enqueue_indirect_dma source(%dma_start3A_393 : memref<10240x64xf32, #tpu.memory_space<hbm>>) target(%arg9 : memref<128x64xf32, #tpu.memory_space<vmem>>) offsets(%dma_start3A_390 : memref<128xi32, #tpu.memory_space<vmem>>) semaphore(%arg14 : memref<!tpu.dma_semaphore, #tpu.memory_space<semaphore_mem>>)
    }
    %while3A_167 = arith.constant 1 : i32
    scf.for %while3A_279 = %while3A_165 to %while3A_161 step %while3A_167  : i32 {
      %mul3A_280 = arith.constant 4 : i32
      %mul3A_281 = arith.muli %mul3A_280, %while3A_279 : i32
      %add3A_282 = arith.constant 4 : i32
      %add3A_283 = arith.addi %add3A_282, %mul3A_281 : i32
      %dma_wait3A_284 = arith.constant 0 : i32
      %dma_wait3A_285 = arith.constant 0 : i32
      %dma_wait3A_286 = tpu.memref_slice %arg2[%dma_wait3A_284, %dma_wait3A_285] : memref<10240x64xf32, #tpu.memory_space<hbm>> -> memref<128x64xf32, #tpu.memory_space<hbm>>
      %dma_wait3A_287 = arith.constant 0 : i32
      %dma_wait3A_288 = arith.constant 0 : i32
      %dma_wait3A_289 = tpu.memref_slice %arg2[%dma_wait3A_287, %dma_wait3A_288] : memref<10240x64xf32, #tpu.memory_space<hbm>> -> memref<128x64xf32, #tpu.memory_space<hbm>>
      tpu.wait_dma2 semaphore(%arg13 : memref<!tpu.dma_semaphore, #tpu.memory_space<semaphore_mem>>) src(%dma_wait3A_289 : memref<128x64xf32, #tpu.memory_space<hbm>>) dst(%arg8 : memref<128x64xf32, #tpu.memory_space<vmem>>)
      %dma_start3A_290 = arith.constant 0 : i32
      %dma_start3A_291 = tpu.memref_slice %arg7[%add3A_283, %dma_start3A_290] : memref<112x128xi32, #tpu.memory_space<vmem>> -> memref<1x128xi32, #tpu.memory_space<vmem>>
      %dma_start3A_292 = tpu.memref_squeeze %dma_start3A_291 : memref<1x128xi32, #tpu.memory_space<vmem>> -> memref<128xi32, #tpu.memory_space<vmem>>
      %dma_start3A_293 = arith.constant 0 : i32
      %dma_start3A_294 = arith.constant 0 : i32
      %dma_start3A_295 = tpu.memref_slice %arg12[%dma_start3A_293, %dma_start3A_294] : memref<10240x64xf32, #tpu.memory_space<vmem_shared>> -> memref<10240x64xf32, #tpu.memory_space<vmem_shared>>
      tpu.enqueue_indirect_dma source(%arg8 : memref<128x64xf32, #tpu.memory_space<vmem>>) target(%dma_start3A_295 : memref<10240x64xf32, #tpu.memory_space<vmem_shared>>) offsets(%dma_start3A_292 : memref<128xi32, #tpu.memory_space<vmem>>) semaphore(%arg17 : memref<!tpu.dma_semaphore, #tpu.memory_space<semaphore_mem>>) {add = true}
      %dma_wait3A_296 = arith.constant 0 : i32
      %dma_wait3A_297 = arith.constant 0 : i32
      %dma_wait3A_298 = tpu.memref_slice %arg2[%dma_wait3A_296, %dma_wait3A_297] : memref<10240x64xf32, #tpu.memory_space<hbm>> -> memref<128x64xf32, #tpu.memory_space<hbm>>
      %dma_wait3A_299 = arith.constant 0 : i32
      %dma_wait3A_300 = arith.constant 0 : i32
      %dma_wait3A_301 = tpu.memref_slice %arg2[%dma_wait3A_299, %dma_wait3A_300] : memref<10240x64xf32, #tpu.memory_space<hbm>> -> memref<128x64xf32, #tpu.memory_space<hbm>>
      tpu.wait_dma2 semaphore(%arg19 : memref<!tpu.dma_semaphore, #tpu.memory_space<semaphore_mem>>) src(%dma_wait3A_301 : memref<128x64xf32, #tpu.memory_space<hbm>>) dst(%arg10 : memref<128x64xf32, #tpu.memory_space<vmem>>)
      %add3A_302 = arith.constant 2 : i32
      %add3A_303 = arith.addi %add3A_283, %add3A_302 : i32
      %dma_start3A_304 = arith.constant 0 : i32
      %dma_start3A_305 = tpu.memref_slice %arg6[%add3A_303, %dma_start3A_304] : memref<112x128xi32, #tpu.memory_space<vmem>> -> memref<1x128xi32, #tpu.memory_space<vmem>>
      %dma_start3A_306 = tpu.memref_squeeze %dma_start3A_305 : memref<1x128xi32, #tpu.memory_space<vmem>> -> memref<128xi32, #tpu.memory_space<vmem>>
      %dma_start3A_307 = arith.constant 0 : i32
      %dma_start3A_308 = arith.constant 0 : i32
      %dma_start3A_309 = tpu.memref_slice %arg2[%dma_start3A_307, %dma_start3A_308] : memref<10240x64xf32, #tpu.memory_space<hbm>> -> memref<10240x64xf32, #tpu.memory_space<hbm>>
      tpu.enqueue_indirect_dma source(%dma_start3A_309 : memref<10240x64xf32, #tpu.memory_space<hbm>>) target(%arg10 : memref<128x64xf32, #tpu.memory_space<vmem>>) offsets(%dma_start3A_306 : memref<128xi32, #tpu.memory_space<vmem>>) semaphore(%arg15 : memref<!tpu.dma_semaphore, #tpu.memory_space<semaphore_mem>>)
      %add3A_310 = arith.constant 1 : i32
      %add3A_311 = arith.addi %add3A_283, %add3A_310 : i32
      %dma_wait3A_312 = arith.constant 0 : i32
      %dma_wait3A_313 = arith.constant 0 : i32
      %dma_wait3A_314 = tpu.memref_slice %arg2[%dma_wait3A_312, %dma_wait3A_313] : memref<10240x64xf32, #tpu.memory_space<hbm>> -> memref<128x64xf32, #tpu.memory_space<hbm>>
      %dma_wait3A_315 = arith.constant 0 : i32
      %dma_wait3A_316 = arith.constant 0 : i32
      %dma_wait3A_317 = tpu.memref_slice %arg2[%dma_wait3A_315, %dma_wait3A_316] : memref<10240x64xf32, #tpu.memory_space<hbm>> -> memref<128x64xf32, #tpu.memory_space<hbm>>
      tpu.wait_dma2 semaphore(%arg14 : memref<!tpu.dma_semaphore, #tpu.memory_space<semaphore_mem>>) src(%dma_wait3A_317 : memref<128x64xf32, #tpu.memory_space<hbm>>) dst(%arg9 : memref<128x64xf32, #tpu.memory_space<vmem>>)
      %dma_start3A_318 = arith.constant 0 : i32
      %dma_start3A_319 = tpu.memref_slice %arg7[%add3A_311, %dma_start3A_318] : memref<112x128xi32, #tpu.memory_space<vmem>> -> memref<1x128xi32, #tpu.memory_space<vmem>>
      %dma_start3A_320 = tpu.memref_squeeze %dma_start3A_319 : memref<1x128xi32, #tpu.memory_space<vmem>> -> memref<128xi32, #tpu.memory_space<vmem>>
      %dma_start3A_321 = arith.constant 0 : i32
      %dma_start3A_322 = arith.constant 0 : i32
      %dma_start3A_323 = tpu.memref_slice %arg12[%dma_start3A_321, %dma_start3A_322] : memref<10240x64xf32, #tpu.memory_space<vmem_shared>> -> memref<10240x64xf32, #tpu.memory_space<vmem_shared>>
      tpu.enqueue_indirect_dma source(%arg9 : memref<128x64xf32, #tpu.memory_space<vmem>>) target(%dma_start3A_323 : memref<10240x64xf32, #tpu.memory_space<vmem_shared>>) offsets(%dma_start3A_320 : memref<128xi32, #tpu.memory_space<vmem>>) semaphore(%arg18 : memref<!tpu.dma_semaphore, #tpu.memory_space<semaphore_mem>>) {add = true}
      %dma_wait3A_324 = arith.constant 0 : i32
      %dma_wait3A_325 = arith.constant 0 : i32
      %dma_wait3A_326 = tpu.memref_slice %arg2[%dma_wait3A_324, %dma_wait3A_325] : memref<10240x64xf32, #tpu.memory_space<hbm>> -> memref<128x64xf32, #tpu.memory_space<hbm>>
      %dma_wait3A_327 = arith.constant 0 : i32
      %dma_wait3A_328 = arith.constant 0 : i32
      %dma_wait3A_329 = tpu.memref_slice %arg2[%dma_wait3A_327, %dma_wait3A_328] : memref<10240x64xf32, #tpu.memory_space<hbm>> -> memref<128x64xf32, #tpu.memory_space<hbm>>
      tpu.wait_dma2 semaphore(%arg20 : memref<!tpu.dma_semaphore, #tpu.memory_space<semaphore_mem>>) src(%dma_wait3A_329 : memref<128x64xf32, #tpu.memory_space<hbm>>) dst(%arg11 : memref<128x64xf32, #tpu.memory_space<vmem>>)
      %add3A_330 = arith.constant 2 : i32
      %add3A_331 = arith.addi %add3A_311, %add3A_330 : i32
      %dma_start3A_332 = arith.constant 0 : i32
      %dma_start3A_333 = tpu.memref_slice %arg6[%add3A_331, %dma_start3A_332] : memref<112x128xi32, #tpu.memory_space<vmem>> -> memref<1x128xi32, #tpu.memory_space<vmem>>
      %dma_start3A_334 = tpu.memref_squeeze %dma_start3A_333 : memref<1x128xi32, #tpu.memory_space<vmem>> -> memref<128xi32, #tpu.memory_space<vmem>>
      %dma_start3A_335 = arith.constant 0 : i32
      %dma_start3A_336 = arith.constant 0 : i32
      %dma_start3A_337 = tpu.memref_slice %arg2[%dma_start3A_335, %dma_start3A_336] : memref<10240x64xf32, #tpu.memory_space<hbm>> -> memref<10240x64xf32, #tpu.memory_space<hbm>>
      tpu.enqueue_indirect_dma source(%dma_start3A_337 : memref<10240x64xf32, #tpu.memory_space<hbm>>) target(%arg11 : memref<128x64xf32, #tpu.memory_space<vmem>>) offsets(%dma_start3A_334 : memref<128xi32, #tpu.memory_space<vmem>>) semaphore(%arg16 : memref<!tpu.dma_semaphore, #tpu.memory_space<semaphore_mem>>)
      %add3A_338 = arith.constant 2 : i32
      %add3A_339 = arith.addi %add3A_283, %add3A_338 : i32
      %dma_wait3A_340 = arith.constant 0 : i32
      %dma_wait3A_341 = arith.constant 0 : i32
      %dma_wait3A_342 = tpu.memref_slice %arg2[%dma_wait3A_340, %dma_wait3A_341] : memref<10240x64xf32, #tpu.memory_space<hbm>> -> memref<128x64xf32, #tpu.memory_space<hbm>>
      %dma_wait3A_343 = arith.constant 0 : i32
      %dma_wait3A_344 = arith.constant 0 : i32
      %dma_wait3A_345 = tpu.memref_slice %arg2[%dma_wait3A_343, %dma_wait3A_344] : memref<10240x64xf32, #tpu.memory_space<hbm>> -> memref<128x64xf32, #tpu.memory_space<hbm>>
      tpu.wait_dma2 semaphore(%arg15 : memref<!tpu.dma_semaphore, #tpu.memory_space<semaphore_mem>>) src(%dma_wait3A_345 : memref<128x64xf32, #tpu.memory_space<hbm>>) dst(%arg10 : memref<128x64xf32, #tpu.memory_space<vmem>>)
      %dma_start3A_346 = arith.constant 0 : i32
      %dma_start3A_347 = tpu.memref_slice %arg7[%add3A_339, %dma_start3A_346] : memref<112x128xi32, #tpu.memory_space<vmem>> -> memref<1x128xi32, #tpu.memory_space<vmem>>
      %dma_start3A_348 = tpu.memref_squeeze %dma_start3A_347 : memref<1x128xi32, #tpu.memory_space<vmem>> -> memref<128xi32, #tpu.memory_space<vmem>>
      %dma_start3A_349 = arith.constant 0 : i32
      %dma_start3A_350 = arith.constant 0 : i32
      %dma_start3A_351 = tpu.memref_slice %arg12[%dma_start3A_349, %dma_start3A_350] : memref<10240x64xf32, #tpu.memory_space<vmem_shared>> -> memref<10240x64xf32, #tpu.memory_space<vmem_shared>>
      tpu.enqueue_indirect_dma source(%arg10 : memref<128x64xf32, #tpu.memory_space<vmem>>) target(%dma_start3A_351 : memref<10240x64xf32, #tpu.memory_space<vmem_shared>>) offsets(%dma_start3A_348 : memref<128xi32, #tpu.memory_space<vmem>>) semaphore(%arg19 : memref<!tpu.dma_semaphore, #tpu.memory_space<semaphore_mem>>) {add = true}
      %dma_wait3A_352 = arith.constant 0 : i32
      %dma_wait3A_353 = arith.constant 0 : i32
      %dma_wait3A_354 = tpu.memref_slice %arg2[%dma_wait3A_352, %dma_wait3A_353] : memref<10240x64xf32, #tpu.memory_space<hbm>> -> memref<128x64xf32, #tpu.memory_space<hbm>>
      %dma_wait3A_355 = arith.constant 0 : i32
      %dma_wait3A_356 = arith.constant 0 : i32
      %dma_wait3A_357 = tpu.memref_slice %arg2[%dma_wait3A_355, %dma_wait3A_356] : memref<10240x64xf32, #tpu.memory_space<hbm>> -> memref<128x64xf32, #tpu.memory_space<hbm>>
      tpu.wait_dma2 semaphore(%arg17 : memref<!tpu.dma_semaphore, #tpu.memory_space<semaphore_mem>>) src(%dma_wait3A_357 : memref<128x64xf32, #tpu.memory_space<hbm>>) dst(%arg8 : memref<128x64xf32, #tpu.memory_space<vmem>>)
      %add3A_358 = arith.constant 2 : i32
      %add3A_359 = arith.addi %add3A_339, %add3A_358 : i32
      %dma_start3A_360 = arith.constant 0 : i32
      %dma_start3A_361 = tpu.memref_slice %arg6[%add3A_359, %dma_start3A_360] : memref<112x128xi32, #tpu.memory_space<vmem>> -> memref<1x128xi32, #tpu.memory_space<vmem>>
      %dma_start3A_362 = tpu.memref_squeeze %dma_start3A_361 : memref<1x128xi32, #tpu.memory_space<vmem>> -> memref<128xi32, #tpu.memory_space<vmem>>
      %dma_start3A_363 = arith.constant 0 : i32
      %dma_start3A_364 = arith.constant 0 : i32
      %dma_start3A_365 = tpu.memref_slice %arg2[%dma_start3A_363, %dma_start3A_364] : memref<10240x64xf32, #tpu.memory_space<hbm>> -> memref<10240x64xf32, #tpu.memory_space<hbm>>
      tpu.enqueue_indirect_dma source(%dma_start3A_365 : memref<10240x64xf32, #tpu.memory_space<hbm>>) target(%arg8 : memref<128x64xf32, #tpu.memory_space<vmem>>) offsets(%dma_start3A_362 : memref<128xi32, #tpu.memory_space<vmem>>) semaphore(%arg13 : memref<!tpu.dma_semaphore, #tpu.memory_space<semaphore_mem>>)
      %add3A_366 = arith.constant 3 : i32
      %add3A_367 = arith.addi %add3A_283, %add3A_366 : i32
      %dma_wait3A_368 = arith.constant 0 : i32
      %dma_wait3A_369 = arith.constant 0 : i32
      %dma_wait3A_370 = tpu.memref_slice %arg2[%dma_wait3A_368, %dma_wait3A_369] : memref<10240x64xf32, #tpu.memory_space<hbm>> -> memref<128x64xf32, #tpu.memory_space<hbm>>
      %dma_wait3A_371 = arith.constant 0 : i32
      %dma_wait3A_372 = arith.constant 0 : i32
      %dma_wait3A_373 = tpu.memref_slice %arg2[%dma_wait3A_371, %dma_wait3A_372] : memref<10240x64xf32, #tpu.memory_space<hbm>> -> memref<128x64xf32, #tpu.memory_space<hbm>>
      tpu.wait_dma2 semaphore(%arg16 : memref<!tpu.dma_semaphore, #tpu.memory_space<semaphore_mem>>) src(%dma_wait3A_373 : memref<128x64xf32, #tpu.memory_space<hbm>>) dst(%arg11 : memref<128x64xf32, #tpu.memory_space<vmem>>)
      %dma_start3A_374 = arith.constant 0 : i32
      %dma_start3A_375 = tpu.memref_slice %arg7[%add3A_367, %dma_start3A_374] : memref<112x128xi32, #tpu.memory_space<vmem>> -> memref<1x128xi32, #tpu.memory_space<vmem>>
      %dma_start3A_376 = tpu.memref_squeeze %dma_start3A_375 : memref<1x128xi32, #tpu.memory_space<vmem>> -> memref<128xi32, #tpu.memory_space<vmem>>
      %dma_start3A_377 = arith.constant 0 : i32
      %dma_start3A_378 = arith.constant 0 : i32
      %dma_start3A_379 = tpu.memref_slice %arg12[%dma_start3A_377, %dma_start3A_378] : memref<10240x64xf32, #tpu.memory_space<vmem_shared>> -> memref<10240x64xf32, #tpu.memory_space<vmem_shared>>
      tpu.enqueue_indirect_dma source(%arg11 : memref<128x64xf32, #tpu.memory_space<vmem>>) target(%dma_start3A_379 : memref<10240x64xf32, #tpu.memory_space<vmem_shared>>) offsets(%dma_start3A_376 : memref<128xi32, #tpu.memory_space<vmem>>) semaphore(%arg20 : memref<!tpu.dma_semaphore, #tpu.memory_space<semaphore_mem>>) {add = true}
      %dma_wait3A_380 = arith.constant 0 : i32
      %dma_wait3A_381 = arith.constant 0 : i32
      %dma_wait3A_382 = tpu.memref_slice %arg2[%dma_wait3A_380, %dma_wait3A_381] : memref<10240x64xf32, #tpu.memory_space<hbm>> -> memref<128x64xf32, #tpu.memory_space<hbm>>
      %dma_wait3A_383 = arith.constant 0 : i32
      %dma_wait3A_384 = arith.constant 0 : i32
      %dma_wait3A_385 = tpu.memref_slice %arg2[%dma_wait3A_383, %dma_wait3A_384] : memref<10240x64xf32, #tpu.memory_space<hbm>> -> memref<128x64xf32, #tpu.memory_space<hbm>>
      tpu.wait_dma2 semaphore(%arg18 : memref<!tpu.dma_semaphore, #tpu.memory_space<semaphore_mem>>) src(%dma_wait3A_385 : memref<128x64xf32, #tpu.memory_space<hbm>>) dst(%arg9 : memref<128x64xf32, #tpu.memory_space<vmem>>)
      %add3A_386 = arith.constant 2 : i32
      %add3A_387 = arith.addi %add3A_367, %add3A_386 : i32
      %dma_start3A_388 = arith.constant 0 : i32
      %dma_start3A_389 = tpu.memref_slice %arg6[%add3A_387, %dma_start3A_388] : memref<112x128xi32, #tpu.memory_space<vmem>> -> memref<1x128xi32, #tpu.memory_space<vmem>>
      %dma_start3A_390 = tpu.memref_squeeze %dma_start3A_389 : memref<1x128xi32, #tpu.memory_space<vmem>> -> memref<128xi32, #tpu.memory_space<vmem>>
      %dma_start3A_391 = arith.constant 0 : i32
      %dma_start3A_392 = arith.constant 0 : i32
      %dma_start3A_393 = tpu.memref_slice %arg2[%dma_start3A_391, %dma_start3A_392] : memref<10240x64xf32, #tpu.memory_space<hbm>> -> memref<10240x64xf32, #tpu.memory_space<hbm>>
      tpu.enqueue_indirect_dma source(%dma_start3A_393 : memref<10240x64xf32, #tpu.memory_space<hbm>>) target(%arg9 : memref<128x64xf32, #tpu.memory_space<vmem>>) offsets(%dma_start3A_390 : memref<128xi32, #tpu.memory_space<vmem>>) semaphore(%arg14 : memref<!tpu.dma_semaphore, #tpu.memory_space<semaphore_mem>>)
    }
    %sub3A_168 = arith.constant 4 : i32
    %sub3A_169 = arith.subi %select_n3A, %sub3A_168 : i32
    %dma_wait3A_170 = arith.constant 0 : i32
    %dma_wait3A_171 = arith.constant 0 : i32
    %dma_wait3A_172 = tpu.memref_slice %arg2[%dma_wait3A_170, %dma_wait3A_171] : memref<10240x64xf32, #tpu.memory_space<hbm>> -> memref<128x64xf32, #tpu.memory_space<hbm>>
    %dma_wait3A_173 = arith.constant 0 : i32
    %dma_wait3A_174 = arith.constant 0 : i32
    %dma_wait3A_175 = tpu.memref_slice %arg2[%dma_wait3A_173, %dma_wait3A_174] : memref<10240x64xf32, #tpu.memory_space<hbm>> -> memref<128x64xf32, #tpu.memory_space<hbm>>
    tpu.wait_dma2 semaphore(%arg13 : memref<!tpu.dma_semaphore, #tpu.memory_space<semaphore_mem>>) src(%dma_wait3A_175 : memref<128x64xf32, #tpu.memory_space<hbm>>) dst(%arg8 : memref<128x64xf32, #tpu.memory_space<vmem>>)
    %dma_start3A_176 = arith.constant 0 : i32
    %dma_start3A_177 = tpu.memref_slice %arg7[%sub3A_169, %dma_start3A_176] : memref<112x128xi32, #tpu.memory_space<vmem>> -> memref<1x128xi32, #tpu.memory_space<vmem>>
    %dma_start3A_178 = tpu.memref_squeeze %dma_start3A_177 : memref<1x128xi32, #tpu.memory_space<vmem>> -> memref<128xi32, #tpu.memory_space<vmem>>
    %dma_start3A_179 = arith.constant 0 : i32
    %dma_start3A_180 = arith.constant 0 : i32
    %dma_start3A_181 = tpu.memref_slice %arg12[%dma_start3A_179, %dma_start3A_180] : memref<10240x64xf32, #tpu.memory_space<vmem_shared>> -> memref<10240x64xf32, #tpu.memory_space<vmem_shared>>
    tpu.enqueue_indirect_dma source(%arg8 : memref<128x64xf32, #tpu.memory_space<vmem>>) target(%dma_start3A_181 : memref<10240x64xf32, #tpu.memory_space<vmem_shared>>) offsets(%dma_start3A_178 : memref<128xi32, #tpu.memory_space<vmem>>) semaphore(%arg17 : memref<!tpu.dma_semaphore, #tpu.memory_space<semaphore_mem>>) {add = true}
    %dma_wait3A_182 = arith.constant 0 : i32
    %dma_wait3A_183 = arith.constant 0 : i32
    %dma_wait3A_184 = tpu.memref_slice %arg2[%dma_wait3A_182, %dma_wait3A_183] : memref<10240x64xf32, #tpu.memory_space<hbm>> -> memref<128x64xf32, #tpu.memory_space<hbm>>
    %dma_wait3A_185 = arith.constant 0 : i32
    %dma_wait3A_186 = arith.constant 0 : i32
    %dma_wait3A_187 = tpu.memref_slice %arg2[%dma_wait3A_185, %dma_wait3A_186] : memref<10240x64xf32, #tpu.memory_space<hbm>> -> memref<128x64xf32, #tpu.memory_space<hbm>>
    tpu.wait_dma2 semaphore(%arg19 : memref<!tpu.dma_semaphore, #tpu.memory_space<semaphore_mem>>) src(%dma_wait3A_187 : memref<128x64xf32, #tpu.memory_space<hbm>>) dst(%arg10 : memref<128x64xf32, #tpu.memory_space<vmem>>)
    %add3A_188 = arith.constant 2 : i32
    %add3A_189 = arith.addi %sub3A_169, %add3A_188 : i32
    %dma_start3A_190 = arith.constant 0 : i32
    %dma_start3A_191 = tpu.memref_slice %arg6[%add3A_189, %dma_start3A_190] : memref<112x128xi32, #tpu.memory_space<vmem>> -> memref<1x128xi32, #tpu.memory_space<vmem>>
    %dma_start3A_192 = tpu.memref_squeeze %dma_start3A_191 : memref<1x128xi32, #tpu.memory_space<vmem>> -> memref<128xi32, #tpu.memory_space<vmem>>
    %dma_start3A_193 = arith.constant 0 : i32
    %dma_start3A_194 = arith.constant 0 : i32
    %dma_start3A_195 = tpu.memref_slice %arg2[%dma_start3A_193, %dma_start3A_194] : memref<10240x64xf32, #tpu.memory_space<hbm>> -> memref<10240x64xf32, #tpu.memory_space<hbm>>
    tpu.enqueue_indirect_dma source(%dma_start3A_195 : memref<10240x64xf32, #tpu.memory_space<hbm>>) target(%arg10 : memref<128x64xf32, #tpu.memory_space<vmem>>) offsets(%dma_start3A_192 : memref<128xi32, #tpu.memory_space<vmem>>) semaphore(%arg15 : memref<!tpu.dma_semaphore, #tpu.memory_space<semaphore_mem>>)
    %sub3A_196 = arith.constant 3 : i32
    %sub3A_197 = arith.subi %select_n3A, %sub3A_196 : i32
    %dma_wait3A_198 = arith.constant 0 : i32
    %dma_wait3A_199 = arith.constant 0 : i32
    %dma_wait3A_200 = tpu.memref_slice %arg2[%dma_wait3A_198, %dma_wait3A_199] : memref<10240x64xf32, #tpu.memory_space<hbm>> -> memref<128x64xf32, #tpu.memory_space<hbm>>
    %dma_wait3A_201 = arith.constant 0 : i32
    %dma_wait3A_202 = arith.constant 0 : i32
    %dma_wait3A_203 = tpu.memref_slice %arg2[%dma_wait3A_201, %dma_wait3A_202] : memref<10240x64xf32, #tpu.memory_space<hbm>> -> memref<128x64xf32, #tpu.memory_space<hbm>>
    tpu.wait_dma2 semaphore(%arg14 : memref<!tpu.dma_semaphore, #tpu.memory_space<semaphore_mem>>) src(%dma_wait3A_203 : memref<128x64xf32, #tpu.memory_space<hbm>>) dst(%arg9 : memref<128x64xf32, #tpu.memory_space<vmem>>)
    %dma_start3A_204 = arith.constant 0 : i32
    %dma_start3A_205 = tpu.memref_slice %arg7[%sub3A_197, %dma_start3A_204] : memref<112x128xi32, #tpu.memory_space<vmem>> -> memref<1x128xi32, #tpu.memory_space<vmem>>
    %dma_start3A_206 = tpu.memref_squeeze %dma_start3A_205 : memref<1x128xi32, #tpu.memory_space<vmem>> -> memref<128xi32, #tpu.memory_space<vmem>>
    %dma_start3A_207 = arith.constant 0 : i32
    %dma_start3A_208 = arith.constant 0 : i32
    %dma_start3A_209 = tpu.memref_slice %arg12[%dma_start3A_207, %dma_start3A_208] : memref<10240x64xf32, #tpu.memory_space<vmem_shared>> -> memref<10240x64xf32, #tpu.memory_space<vmem_shared>>
    tpu.enqueue_indirect_dma source(%arg9 : memref<128x64xf32, #tpu.memory_space<vmem>>) target(%dma_start3A_209 : memref<10240x64xf32, #tpu.memory_space<vmem_shared>>) offsets(%dma_start3A_206 : memref<128xi32, #tpu.memory_space<vmem>>) semaphore(%arg18 : memref<!tpu.dma_semaphore, #tpu.memory_space<semaphore_mem>>) {add = true}
    %dma_wait3A_210 = arith.constant 0 : i32
    %dma_wait3A_211 = arith.constant 0 : i32
    %dma_wait3A_212 = tpu.memref_slice %arg2[%dma_wait3A_210, %dma_wait3A_211] : memref<10240x64xf32, #tpu.memory_space<hbm>> -> memref<128x64xf32, #tpu.memory_space<hbm>>
    %dma_wait3A_213 = arith.constant 0 : i32
    %dma_wait3A_214 = arith.constant 0 : i32
    %dma_wait3A_215 = tpu.memref_slice %arg2[%dma_wait3A_213, %dma_wait3A_214] : memref<10240x64xf32, #tpu.memory_space<hbm>> -> memref<128x64xf32, #tpu.memory_space<hbm>>
    tpu.wait_dma2 semaphore(%arg20 : memref<!tpu.dma_semaphore, #tpu.memory_space<semaphore_mem>>) src(%dma_wait3A_215 : memref<128x64xf32, #tpu.memory_space<hbm>>) dst(%arg11 : memref<128x64xf32, #tpu.memory_space<vmem>>)
    %add3A_216 = arith.constant 2 : i32
    %add3A_217 = arith.addi %sub3A_197, %add3A_216 : i32
    %dma_start3A_218 = arith.constant 0 : i32
    %dma_start3A_219 = tpu.memref_slice %arg6[%add3A_217, %dma_start3A_218] : memref<112x128xi32, #tpu.memory_space<vmem>> -> memref<1x128xi32, #tpu.memory_space<vmem>>
    %dma_start3A_220 = tpu.memref_squeeze %dma_start3A_219 : memref<1x128xi32, #tpu.memory_space<vmem>> -> memref<128xi32, #tpu.memory_space<vmem>>
    %dma_start3A_221 = arith.constant 0 : i32
    %dma_start3A_222 = arith.constant 0 : i32
    %dma_start3A_223 = tpu.memref_slice %arg2[%dma_start3A_221, %dma_start3A_222] : memref<10240x64xf32, #tpu.memory_space<hbm>> -> memref<10240x64xf32, #tpu.memory_space<hbm>>
    tpu.enqueue_indirect_dma source(%dma_start3A_223 : memref<10240x64xf32, #tpu.memory_space<hbm>>) target(%arg11 : memref<128x64xf32, #tpu.memory_space<vmem>>) offsets(%dma_start3A_220 : memref<128xi32, #tpu.memory_space<vmem>>) semaphore(%arg16 : memref<!tpu.dma_semaphore, #tpu.memory_space<semaphore_mem>>)
    %sub3A_224 = arith.constant 2 : i32
    %sub3A_225 = arith.subi %select_n3A, %sub3A_224 : i32
    %dma_wait3A_226 = arith.constant 0 : i32
    %dma_wait3A_227 = arith.constant 0 : i32
    %dma_wait3A_228 = tpu.memref_slice %arg2[%dma_wait3A_226, %dma_wait3A_227] : memref<10240x64xf32, #tpu.memory_space<hbm>> -> memref<128x64xf32, #tpu.memory_space<hbm>>
    %dma_wait3A_229 = arith.constant 0 : i32
    %dma_wait3A_230 = arith.constant 0 : i32
    %dma_wait3A_231 = tpu.memref_slice %arg2[%dma_wait3A_229, %dma_wait3A_230] : memref<10240x64xf32, #tpu.memory_space<hbm>> -> memref<128x64xf32, #tpu.memory_space<hbm>>
    tpu.wait_dma2 semaphore(%arg15 : memref<!tpu.dma_semaphore, #tpu.memory_space<semaphore_mem>>) src(%dma_wait3A_231 : memref<128x64xf32, #tpu.memory_space<hbm>>) dst(%arg10 : memref<128x64xf32, #tpu.memory_space<vmem>>)
    %dma_start3A_232 = arith.constant 0 : i32
    %dma_start3A_233 = tpu.memref_slice %arg7[%sub3A_225, %dma_start3A_232] : memref<112x128xi32, #tpu.memory_space<vmem>> -> memref<1x128xi32, #tpu.memory_space<vmem>>
    %dma_start3A_234 = tpu.memref_squeeze %dma_start3A_233 : memref<1x128xi32, #tpu.memory_space<vmem>> -> memref<128xi32, #tpu.memory_space<vmem>>
    %dma_start3A_235 = arith.constant 0 : i32
    %dma_start3A_236 = arith.constant 0 : i32
    %dma_start3A_237 = tpu.memref_slice %arg12[%dma_start3A_235, %dma_start3A_236] : memref<10240x64xf32, #tpu.memory_space<vmem_shared>> -> memref<10240x64xf32, #tpu.memory_space<vmem_shared>>
    tpu.enqueue_indirect_dma source(%arg10 : memref<128x64xf32, #tpu.memory_space<vmem>>) target(%dma_start3A_237 : memref<10240x64xf32, #tpu.memory_space<vmem_shared>>) offsets(%dma_start3A_234 : memref<128xi32, #tpu.memory_space<vmem>>) semaphore(%arg19 : memref<!tpu.dma_semaphore, #tpu.memory_space<semaphore_mem>>) {add = true}
    %dma_wait3A_238 = arith.constant 0 : i32
    %dma_wait3A_239 = arith.constant 0 : i32
    %dma_wait3A_240 = tpu.memref_slice %arg2[%dma_wait3A_238, %dma_wait3A_239] : memref<10240x64xf32, #tpu.memory_space<hbm>> -> memref<128x64xf32, #tpu.memory_space<hbm>>
    %dma_wait3A_241 = arith.constant 0 : i32
    %dma_wait3A_242 = arith.constant 0 : i32
    %dma_wait3A_243 = tpu.memref_slice %arg2[%dma_wait3A_241, %dma_wait3A_242] : memref<10240x64xf32, #tpu.memory_space<hbm>> -> memref<128x64xf32, #tpu.memory_space<hbm>>
    tpu.wait_dma2 semaphore(%arg17 : memref<!tpu.dma_semaphore, #tpu.memory_space<semaphore_mem>>) src(%dma_wait3A_243 : memref<128x64xf32, #tpu.memory_space<hbm>>) dst(%arg8 : memref<128x64xf32, #tpu.memory_space<vmem>>)
    %sub3A_244 = arith.constant 1 : i32
    %sub3A_245 = arith.subi %select_n3A, %sub3A_244 : i32
    %dma_wait3A_246 = arith.constant 0 : i32
    %dma_wait3A_247 = arith.constant 0 : i32
    %dma_wait3A_248 = tpu.memref_slice %arg2[%dma_wait3A_246, %dma_wait3A_247] : memref<10240x64xf32, #tpu.memory_space<hbm>> -> memref<128x64xf32, #tpu.memory_space<hbm>>
    %dma_wait3A_249 = arith.constant 0 : i32
    %dma_wait3A_250 = arith.constant 0 : i32
    %dma_wait3A_251 = tpu.memref_slice %arg2[%dma_wait3A_249, %dma_wait3A_250] : memref<10240x64xf32, #tpu.memory_space<hbm>> -> memref<128x64xf32, #tpu.memory_space<hbm>>
    tpu.wait_dma2 semaphore(%arg16 : memref<!tpu.dma_semaphore, #tpu.memory_space<semaphore_mem>>) src(%dma_wait3A_251 : memref<128x64xf32, #tpu.memory_space<hbm>>) dst(%arg11 : memref<128x64xf32, #tpu.memory_space<vmem>>)
    %dma_start3A_252 = arith.constant 0 : i32
    %dma_start3A_253 = tpu.memref_slice %arg7[%sub3A_245, %dma_start3A_252] : memref<112x128xi32, #tpu.memory_space<vmem>> -> memref<1x128xi32, #tpu.memory_space<vmem>>
    %dma_start3A_254 = tpu.memref_squeeze %dma_start3A_253 : memref<1x128xi32, #tpu.memory_space<vmem>> -> memref<128xi32, #tpu.memory_space<vmem>>
    %dma_start3A_255 = arith.constant 0 : i32
    %dma_start3A_256 = arith.constant 0 : i32
    %dma_start3A_257 = tpu.memref_slice %arg12[%dma_start3A_255, %dma_start3A_256] : memref<10240x64xf32, #tpu.memory_space<vmem_shared>> -> memref<10240x64xf32, #tpu.memory_space<vmem_shared>>
    tpu.enqueue_indirect_dma source(%arg11 : memref<128x64xf32, #tpu.memory_space<vmem>>) target(%dma_start3A_257 : memref<10240x64xf32, #tpu.memory_space<vmem_shared>>) offsets(%dma_start3A_254 : memref<128xi32, #tpu.memory_space<vmem>>) semaphore(%arg20 : memref<!tpu.dma_semaphore, #tpu.memory_space<semaphore_mem>>) {add = true}
    %dma_wait3A_258 = arith.constant 0 : i32
    %dma_wait3A_259 = arith.constant 0 : i32
    %dma_wait3A_260 = tpu.memref_slice %arg2[%dma_wait3A_258, %dma_wait3A_259] : memref<10240x64xf32, #tpu.memory_space<hbm>> -> memref<128x64xf32, #tpu.memory_space<hbm>>
    %dma_wait3A_261 = arith.constant 0 : i32
    %dma_wait3A_262 = arith.constant 0 : i32
    %dma_wait3A_263 = tpu.memref_slice %arg2[%dma_wait3A_261, %dma_wait3A_262] : memref<10240x64xf32, #tpu.memory_space<hbm>> -> memref<128x64xf32, #tpu.memory_space<hbm>>
    tpu.wait_dma2 semaphore(%arg18 : memref<!tpu.dma_semaphore, #tpu.memory_space<semaphore_mem>>) src(%dma_wait3A_263 : memref<128x64xf32, #tpu.memory_space<hbm>>) dst(%arg9 : memref<128x64xf32, #tpu.memory_space<vmem>>)
    %dma_wait3A_264 = arith.constant 0 : i32
    %dma_wait3A_265 = arith.constant 0 : i32
    %dma_wait3A_266 = tpu.memref_slice %arg2[%dma_wait3A_264, %dma_wait3A_265] : memref<10240x64xf32, #tpu.memory_space<hbm>> -> memref<128x64xf32, #tpu.memory_space<hbm>>
    %dma_wait3A_267 = arith.constant 0 : i32
    %dma_wait3A_268 = arith.constant 0 : i32
    %dma_wait3A_269 = tpu.memref_slice %arg2[%dma_wait3A_267, %dma_wait3A_268] : memref<10240x64xf32, #tpu.memory_space<hbm>> -> memref<128x64xf32, #tpu.memory_space<hbm>>
    tpu.wait_dma2 semaphore(%arg19 : memref<!tpu.dma_semaphore, #tpu.memory_space<semaphore_mem>>) src(%dma_wait3A_269 : memref<128x64xf32, #tpu.memory_space<hbm>>) dst(%arg10 : memref<128x64xf32, #tpu.memory_space<vmem>>)
    %dma_wait3A_270 = arith.constant 0 : i32
    %dma_wait3A_271 = arith.constant 0 : i32
    %dma_wait3A_272 = tpu.memref_slice %arg2[%dma_wait3A_270, %dma_wait3A_271] : memref<10240x64xf32, #tpu.memory_space<hbm>> -> memref<128x64xf32, #tpu.memory_space<hbm>>
    %dma_wait3A_273 = arith.constant 0 : i32
    %dma_wait3A_274 = arith.constant 0 : i32
    %dma_wait3A_275 = tpu.memref_slice %arg2[%dma_wait3A_273, %dma_wait3A_274] : memref<10240x64xf32, #tpu.memory_space<hbm>> -> memref<128x64xf32, #tpu.memory_space<hbm>>
    tpu.wait_dma2 semaphore(%arg20 : memref<!tpu.dma_semaphore, #tpu.memory_space<semaphore_mem>>) src(%dma_wait3A_275 : memref<128x64xf32, #tpu.memory_space<hbm>>) dst(%arg11 : memref<128x64xf32, #tpu.memory_space<vmem>>)
    %barrier3A_276 = arith.constant 0 : index
    tpu.barrier barrier_id(%barrier3A_276)
    %mul3A_277 = arith.constant 640 : i32
    %mul3A_278 = arith.muli %arg1, %mul3A_277 : i32
    "tpu.region"() ({
      %run_scoped3A = tpu.sem_alloc : memref<!tpu.dma_semaphore, #tpu.memory_space<semaphore_mem>>
      %dma_start3A_279 = arith.constant 0 : i32
      %dma_start3A_280 = tpu.memref_slice %arg5[%arg0, %mul3A_278, %dma_start3A_279] : memref<2x10240x64xf32, #tpu.memory_space<hbm>> -> memref<1x640x64xf32, #tpu.memory_space<hbm>>
      %dma_start3A_281 = tpu.memref_squeeze %dma_start3A_280 : memref<1x640x64xf32, #tpu.memory_space<hbm>> -> memref<640x64xf32, #tpu.memory_space<hbm>>
      %dma_start3A_282 = arith.constant 0 : i32
      %dma_start3A_283 = tpu.memref_slice %arg12[%mul3A_278, %dma_start3A_282] : memref<10240x64xf32, #tpu.memory_space<vmem_shared>> -> memref<640x64xf32, #tpu.memory_space<vmem_shared>>
      tpu.enqueue_dma source(%dma_start3A_283 : memref<640x64xf32, #tpu.memory_space<vmem_shared>>) target(%dma_start3A_281 : memref<640x64xf32, #tpu.memory_space<hbm>>) target_semaphore(%run_scoped3A : memref<!tpu.dma_semaphore, #tpu.memory_space<semaphore_mem>>)
      %dma_wait3A_284 = arith.constant 0 : i32
      %dma_wait3A_285 = tpu.memref_slice %arg5[%arg0, %mul3A_278, %dma_wait3A_284] : memref<2x10240x64xf32, #tpu.memory_space<hbm>> -> memref<1x640x64xf32, #tpu.memory_space<hbm>>
      %dma_wait3A_286 = tpu.memref_squeeze %dma_wait3A_285 : memref<1x640x64xf32, #tpu.memory_space<hbm>> -> memref<640x64xf32, #tpu.memory_space<hbm>>
      %dma_wait3A_287 = arith.constant 0 : i32
      %dma_wait3A_288 = tpu.memref_slice %arg12[%mul3A_278, %dma_wait3A_287] : memref<10240x64xf32, #tpu.memory_space<vmem_shared>> -> memref<640x64xf32, #tpu.memory_space<vmem_shared>>
      tpu.wait_dma2 semaphore(%run_scoped3A : memref<!tpu.dma_semaphore, #tpu.memory_space<semaphore_mem>>) src(%dma_wait3A_288 : memref<640x64xf32, #tpu.memory_space<vmem_shared>>) dst(%dma_wait3A_286 : memref<640x64xf32, #tpu.memory_space<hbm>>)
      tpu.yield
    }) : () -> ()
    return
  }
}

#map = affine_map<(d0, d1) -> (0, 0)>
#map1 = affine_map<(d0, d1) -> (0, 0, 0)>
module attributes {stable_mosaic.version = 14 : i64} {
  func.func @cnt_k(%arg0: i32, %arg1: i32, %arg2: memref<2560x128xi32, #tpu.memory_space<hbm>>, %arg3: memref<640x8xf32, #tpu.memory_space<hbm>>, %arg4: memref<128x8xf32, #tpu.memory_space<hbm>>, %arg5: memref<2x10240x8xf32, #tpu.memory_space<hbm>>, %arg6: memref<80x128xi32, #tpu.memory_space<vmem>>, %arg7: memref<128x8xf32, #tpu.memory_space<vmem>>, %arg8: memref<10240x8xf32, #tpu.memory_space<vmem_shared>>, %arg9: memref<!tpu.dma_semaphore, #tpu.memory_space<semaphore_mem>>) attributes {dimension_semantics = [#tpu.dimension_semantics<core_parallel>, #tpu.dimension_semantics<subcore_parallel>], iteration_bounds = array<i64: 2, 16>, scalar_prefetch = 0 : i64, scratch_operands = 4 : i64, tpu.core_type = #tpu.core_type<sc_vector_subcore>, window_params = [{transform_indices = #map}, {transform_indices = #map}, {transform_indices = #map}, {transform_indices = #map1}]} {
    %mul3A = arith.constant 16 : i32
    %mul3A_0 = arith.muli %arg0, %mul3A : i32
    %add3A = arith.addi %mul3A_0, %arg1 : i32
    %mul3A_1 = arith.constant 80 : i32
    %mul3A_2 = arith.muli %add3A, %mul3A_1 : i32
    "tpu.region"() ({
      %run_scoped3A = tpu.sem_alloc : memref<!tpu.dma_semaphore, #tpu.memory_space<semaphore_mem>>
      %dma_start3A = arith.constant 0 : i32
      %dma_start3A_17 = tpu.memref_slice %arg2[%mul3A_2, %dma_start3A] : memref<2560x128xi32, #tpu.memory_space<hbm>> -> memref<80x128xi32, #tpu.memory_space<hbm>>
      %dma_start3A_18 = arith.constant 0 : i32
      %dma_start3A_19 = tpu.memref_slice %arg2[%mul3A_2, %dma_start3A_18] : memref<2560x128xi32, #tpu.memory_space<hbm>> -> memref<80x128xi32, #tpu.memory_space<hbm>>
      tpu.enqueue_dma source(%dma_start3A_19 : memref<80x128xi32, #tpu.memory_space<hbm>>) target(%arg6 : memref<80x128xi32, #tpu.memory_space<vmem>>) target_semaphore(%run_scoped3A : memref<!tpu.dma_semaphore, #tpu.memory_space<semaphore_mem>>)
      %dma_wait3A = arith.constant 0 : i32
      %dma_wait3A_20 = tpu.memref_slice %arg2[%mul3A_2, %dma_wait3A] : memref<2560x128xi32, #tpu.memory_space<hbm>> -> memref<80x128xi32, #tpu.memory_space<hbm>>
      %dma_wait3A_21 = arith.constant 0 : i32
      %dma_wait3A_22 = tpu.memref_slice %arg2[%mul3A_2, %dma_wait3A_21] : memref<2560x128xi32, #tpu.memory_space<hbm>> -> memref<80x128xi32, #tpu.memory_space<hbm>>
      tpu.wait_dma2 semaphore(%run_scoped3A : memref<!tpu.dma_semaphore, #tpu.memory_space<semaphore_mem>>) src(%dma_wait3A_22 : memref<80x128xi32, #tpu.memory_space<hbm>>) dst(%arg6 : memref<80x128xi32, #tpu.memory_space<vmem>>)
      tpu.yield
    }) : () -> ()
    %mul3A_3 = arith.constant 640 : i32
    %mul3A_4 = arith.muli %arg1, %mul3A_3 : i32
    "tpu.region"() ({
      %run_scoped3A = tpu.sem_alloc : memref<!tpu.dma_semaphore, #tpu.memory_space<semaphore_mem>>
      %dma_start3A = arith.constant 0 : i32
      %dma_start3A_17 = tpu.memref_slice %arg8[%mul3A_4, %dma_start3A] : memref<10240x8xf32, #tpu.memory_space<vmem_shared>> -> memref<640x8xf32, #tpu.memory_space<vmem_shared>>
      tpu.enqueue_dma source(%arg3 : memref<640x8xf32, #tpu.memory_space<hbm>>) target(%dma_start3A_17 : memref<640x8xf32, #tpu.memory_space<vmem_shared>>) target_semaphore(%run_scoped3A : memref<!tpu.dma_semaphore, #tpu.memory_space<semaphore_mem>>)
      %dma_wait3A = arith.constant 0 : i32
      %dma_wait3A_18 = tpu.memref_slice %arg8[%mul3A_4, %dma_wait3A] : memref<10240x8xf32, #tpu.memory_space<vmem_shared>> -> memref<640x8xf32, #tpu.memory_space<vmem_shared>>
      tpu.wait_dma2 semaphore(%run_scoped3A : memref<!tpu.dma_semaphore, #tpu.memory_space<semaphore_mem>>) src(%arg3 : memref<640x8xf32, #tpu.memory_space<hbm>>) dst(%dma_wait3A_18 : memref<640x8xf32, #tpu.memory_space<vmem_shared>>)
      tpu.yield
    }) : () -> ()
    "tpu.region"() ({
      %run_scoped3A = tpu.sem_alloc : memref<!tpu.dma_semaphore, #tpu.memory_space<semaphore_mem>>
      tpu.enqueue_dma source(%arg4 : memref<128x8xf32, #tpu.memory_space<hbm>>) target(%arg7 : memref<128x8xf32, #tpu.memory_space<vmem>>) target_semaphore(%run_scoped3A : memref<!tpu.dma_semaphore, #tpu.memory_space<semaphore_mem>>)
      tpu.wait_dma2 semaphore(%run_scoped3A : memref<!tpu.dma_semaphore, #tpu.memory_space<semaphore_mem>>) src(%arg4 : memref<128x8xf32, #tpu.memory_space<hbm>>) dst(%arg7 : memref<128x8xf32, #tpu.memory_space<vmem>>)
      tpu.yield
    }) : () -> ()
    %barrier3A = arith.constant 0 : index
    tpu.barrier barrier_id(%barrier3A)
    %scan3A = arith.constant 0 : i32
    %scan3A_5 = arith.constant 0 : i32
    %scan3A_6 = arith.constant 80 : i32
    %scan3A_7 = arith.addi %scan3A_5, %scan3A_6 : i32
    %scan3A_8 = arith.constant 1 : i32
    scf.for %scan3A_17 = %scan3A_5 to %scan3A_7 step %scan3A_8  : i32 {
      %dma_start3A = arith.constant 0 : i32
      %dma_start3A_18 = tpu.memref_slice %arg6[%scan3A_17, %dma_start3A] : memref<80x128xi32, #tpu.memory_space<vmem>> -> memref<1x128xi32, #tpu.memory_space<vmem>>
      %dma_start3A_19 = tpu.memref_squeeze %dma_start3A_18 : memref<1x128xi32, #tpu.memory_space<vmem>> -> memref<128xi32, #tpu.memory_space<vmem>>
      %dma_start3A_20 = arith.constant 0 : i32
      %dma_start3A_21 = arith.constant 0 : i32
      %dma_start3A_22 = tpu.memref_slice %arg8[%dma_start3A_20, %dma_start3A_21] : memref<10240x8xf32, #tpu.memory_space<vmem_shared>> -> memref<10240x8xf32, #tpu.memory_space<vmem_shared>>
      tpu.enqueue_indirect_dma source(%arg7 : memref<128x8xf32, #tpu.memory_space<vmem>>) target(%dma_start3A_22 : memref<10240x8xf32, #tpu.memory_space<vmem_shared>>) offsets(%dma_start3A_19 : memref<128xi32, #tpu.memory_space<vmem>>) semaphore(%arg9 : memref<!tpu.dma_semaphore, #tpu.memory_space<semaphore_mem>>) {add = true}
    }
    %scan3A_9 = arith.constant 80 : i32
    %scan3A_10 = arith.constant 0 : i32
    %scan3A_11 = arith.constant 0 : i32
    %scan3A_12 = arith.constant 80 : i32
    %scan3A_13 = arith.addi %scan3A_11, %scan3A_12 : i32
    %scan3A_14 = arith.constant 1 : i32
    scf.for %scan3A_17 = %scan3A_11 to %scan3A_13 step %scan3A_14  : i32 {
      tpu.wait_dma2 semaphore(%arg9 : memref<!tpu.dma_semaphore, #tpu.memory_space<semaphore_mem>>) src(%arg4 : memref<128x8xf32, #tpu.memory_space<hbm>>) dst(%arg7 : memref<128x8xf32, #tpu.memory_space<vmem>>)
    }
    %scan3A_15 = arith.constant 80 : i32
    %barrier3A_16 = arith.constant 0 : index
    tpu.barrier barrier_id(%barrier3A_16)
    "tpu.region"() ({
      %run_scoped3A = tpu.sem_alloc : memref<!tpu.dma_semaphore, #tpu.memory_space<semaphore_mem>>
      %dma_start3A = arith.constant 0 : i32
      %dma_start3A_17 = tpu.memref_slice %arg5[%arg0, %mul3A_4, %dma_start3A] : memref<2x10240x8xf32, #tpu.memory_space<hbm>> -> memref<1x640x8xf32, #tpu.memory_space<hbm>>
      %dma_start3A_18 = tpu.memref_squeeze %dma_start3A_17 : memref<1x640x8xf32, #tpu.memory_space<hbm>> -> memref<640x8xf32, #tpu.memory_space<hbm>>
      %dma_start3A_19 = arith.constant 0 : i32
      %dma_start3A_20 = tpu.memref_slice %arg8[%mul3A_4, %dma_start3A_19] : memref<10240x8xf32, #tpu.memory_space<vmem_shared>> -> memref<640x8xf32, #tpu.memory_space<vmem_shared>>
      tpu.enqueue_dma source(%dma_start3A_20 : memref<640x8xf32, #tpu.memory_space<vmem_shared>>) target(%dma_start3A_18 : memref<640x8xf32, #tpu.memory_space<hbm>>) target_semaphore(%run_scoped3A : memref<!tpu.dma_semaphore, #tpu.memory_space<semaphore_mem>>)
      %dma_wait3A = arith.constant 0 : i32
      %dma_wait3A_21 = tpu.memref_slice %arg5[%arg0, %mul3A_4, %dma_wait3A] : memref<2x10240x8xf32, #tpu.memory_space<hbm>> -> memref<1x640x8xf32, #tpu.memory_space<hbm>>
      %dma_wait3A_22 = tpu.memref_squeeze %dma_wait3A_21 : memref<1x640x8xf32, #tpu.memory_space<hbm>> -> memref<640x8xf32, #tpu.memory_space<hbm>>
      %dma_wait3A_23 = arith.constant 0 : i32
      %dma_wait3A_24 = tpu.memref_slice %arg8[%mul3A_4, %dma_wait3A_23] : memref<10240x8xf32, #tpu.memory_space<vmem_shared>> -> memref<640x8xf32, #tpu.memory_space<vmem_shared>>
      tpu.wait_dma2 semaphore(%run_scoped3A : memref<!tpu.dma_semaphore, #tpu.memory_space<semaphore_mem>>) src(%dma_wait3A_24 : memref<640x8xf32, #tpu.memory_space<vmem_shared>>) dst(%dma_wait3A_22 : memref<640x8xf32, #tpu.memory_space<hbm>>)
      tpu.yield
    }) : () -> ()
    return
  }
}

module attributes {stable_mosaic.version = 14 : i64} {
  func.func @_tc_a_body(%arg0: memref<10240x128xf32, #tpu.memory_space<vmem>>, %arg1: memref<64x128xf32, #tpu.memory_space<vmem>>, %arg2: memref<64x128xf32, #tpu.memory_space<vmem>>, %arg3: memref<10240x64xf32, #tpu.memory_space<vmem>>, %arg4: memref<10240x64xf32, #tpu.memory_space<vmem>>) attributes {dimension_semantics = [], scalar_prefetch = 0 : i64, scratch_operands = 0 : i64, tpu.core_type = #tpu.core_type<tc>} {
    %get3A = arith.constant 0 : index
    %get3A_0 = arith.constant 0 : index
    %get3A_1 = vector.load %arg0[%get3A, %get3A_0] : memref<10240x128xf32, #tpu.memory_space<vmem>>, vector<10240x128xf32>
    %get3A_2 = arith.constant 0 : index
    %get3A_3 = arith.constant 0 : index
    %get3A_4 = vector.load %arg1[%get3A_2, %get3A_3] : memref<64x128xf32, #tpu.memory_space<vmem>>, vector<64x128xf32>
    %dot_general3A = arith.constant dense<0.000000e+00> : vector<10240x64xf32>
    %dot_general3A_5 = tpu.matmul %get3A_1, %get3A_4, %dot_general3A {dimension_numbers = #tpu.dot_dimension_numbers<[1], [1], [0], [0], [0, 0, 1, 0], [], []>, transpose_lhs_hint = false} : vector<10240x128xf32>, vector<64x128xf32>, vector<10240x64xf32> -> vector<10240x64xf32>
    %swap3A = arith.constant 0 : index
    %swap3A_6 = arith.constant 0 : index
    %swap3A_7 = vector.load %arg3[%swap3A, %swap3A_6] : memref<10240x64xf32, #tpu.memory_space<vmem>>, vector<10240x64xf32>
    tpu.vector_store %arg3[%swap3A, %swap3A_6], %dot_general3A_5 {strides = array<i32>} : memref<10240x64xf32, #tpu.memory_space<vmem>>, vector<10240x64xf32>,
    %get3A_8 = arith.constant 0 : index
    %get3A_9 = arith.constant 0 : index
    %get3A_10 = vector.load %arg2[%get3A_8, %get3A_9] : memref<64x128xf32, #tpu.memory_space<vmem>>, vector<64x128xf32>
    %dot_general3A_11 = arith.constant dense<0.000000e+00> : vector<10240x64xf32>
    %dot_general3A_12 = tpu.matmul %get3A_1, %get3A_10, %dot_general3A_11 {dimension_numbers = #tpu.dot_dimension_numbers<[1], [1], [0], [0], [0, 0, 1, 0], [], []>, transpose_lhs_hint = false} : vector<10240x128xf32>, vector<64x128xf32>, vector<10240x64xf32> -> vector<10240x64xf32>
    %swap3A_13 = arith.constant 0 : index
    %swap3A_14 = arith.constant 0 : index
    %swap3A_15 = vector.load %arg4[%swap3A_13, %swap3A_14] : memref<10240x64xf32, #tpu.memory_space<vmem>>, vector<10240x64xf32>
    tpu.vector_store %arg4[%swap3A_13, %swap3A_14], %dot_general3A_12 {strides = array<i32>} : memref<10240x64xf32, #tpu.memory_space<vmem>>, vector<10240x64xf32>,
    return
  }
}

module attributes {stable_mosaic.version = 14 : i64} {
  func.func @_tc_mid_body(%arg0: memref<2x10240x64xf32, #tpu.memory_space<vmem>>, %arg1: memref<2x10240x8xf32, #tpu.memory_space<vmem>>, %arg2: memref<10240x64xf32, #tpu.memory_space<vmem>>, %arg3: memref<1x64xf32, #tpu.memory_space<vmem>>, %arg4: memref<64x64xf32, #tpu.memory_space<vmem>>, %arg5: memref<64x64xf32, #tpu.memory_space<vmem>>, %arg6: memref<1x64xf32, #tpu.memory_space<vmem>>, %arg7: memref<1x1xf32, #tpu.memory_space<vmem>>, %arg8: memref<10240x64xf32, #tpu.memory_space<vmem>>, %arg9: memref<10240x64xf32, #tpu.memory_space<vmem>>, %arg10: memref<10240x64xf32, #tpu.memory_space<vmem>>) attributes {dimension_semantics = [], scalar_prefetch = 0 : i64, scratch_operands = 0 : i64, tpu.core_type = #tpu.core_type<tc>} {
    %get3A = arith.constant 0 : index
    %get3A_0 = arith.constant 0 : index
    %get3A_1 = arith.constant 0 : index
    %get3A_2 = vector.load %arg0[%get3A, %get3A_0, %get3A_1] : memref<2x10240x64xf32, #tpu.memory_space<vmem>>, vector<1x10240x64xf32>
    %get3A_3 = vector.shape_cast %get3A_2 : vector<1x10240x64xf32> to vector<10240x64xf32>
    %get3A_4 = arith.constant 1 : index
    %get3A_5 = arith.constant 0 : index
    %get3A_6 = arith.constant 0 : index
    %get3A_7 = vector.load %arg0[%get3A_4, %get3A_5, %get3A_6] : memref<2x10240x64xf32, #tpu.memory_space<vmem>>, vector<1x10240x64xf32>
    %get3A_8 = vector.shape_cast %get3A_7 : vector<1x10240x64xf32> to vector<10240x64xf32>
    %add3A = arith.addf %get3A_3, %get3A_8 : vector<10240x64xf32>
    %get3A_9 = arith.constant 0 : index
    %get3A_10 = arith.constant 0 : index
    %get3A_11 = arith.constant 0 : index
    %get3A_12 = vector.load %arg1[%get3A_9, %get3A_10, %get3A_11] : memref<2x10240x8xf32, #tpu.memory_space<vmem>>, vector<1x10240x1xf32>
    %get3A_13 = vector.shape_cast %get3A_12 : vector<1x10240x1xf32> to vector<10240x1xf32>
    %get3A_14 = arith.constant 1 : index
    %get3A_15 = arith.constant 0 : index
    %get3A_16 = arith.constant 0 : index
    %get3A_17 = vector.load %arg1[%get3A_14, %get3A_15, %get3A_16] : memref<2x10240x8xf32, #tpu.memory_space<vmem>>, vector<1x10240x1xf32>
    %get3A_18 = vector.shape_cast %get3A_17 : vector<1x10240x1xf32> to vector<10240x1xf32>
    %add3A_19 = arith.addf %get3A_13, %get3A_18 : vector<10240x1xf32>
    %max3A = arith.constant 1.000000e+00 : f32
    %max3A_20 = vector.broadcast %max3A : f32 to vector<10240x1xf32>
    %max3A_21 = arith.maximumf %add3A_19, %max3A_20 : vector<10240x1xf32>
    %div3A = vector.broadcast %max3A_21 : vector<10240x1xf32> to vector<10240x64xf32>
    %div3A_22 = arith.divf %add3A, %div3A : vector<10240x64xf32>
    %get3A_23 = arith.constant 0 : index
    %get3A_24 = arith.constant 0 : index
    %get3A_25 = vector.load %arg3[%get3A_23, %get3A_24] : memref<1x64xf32, #tpu.memory_space<vmem>>, vector<1x64xf32>
    %add3A_26 = vector.broadcast %get3A_25 : vector<1x64xf32> to vector<10240x64xf32>
    %add3A_27 = arith.addf %div3A_22, %add3A_26 : vector<10240x64xf32>
    %get3A_28 = arith.constant 0 : index
    %get3A_29 = arith.constant 0 : index
    %get3A_30 = vector.load %arg2[%get3A_28, %get3A_29] : memref<10240x64xf32, #tpu.memory_space<vmem>>, vector<10240x64xf32>
    %add3A_31 = arith.addf %add3A_27, %get3A_30 : vector<10240x64xf32>
    %get3A_32 = arith.constant 0 : index
    %get3A_33 = arith.constant 0 : index
    %get3A_34 = vector.load %arg7[%get3A_32, %get3A_33] : memref<1x1xf32, #tpu.memory_space<vmem>>, vector<1x1xf32>
    %max3A_35 = arith.constant 0.000000e+00 : f32
    %max3A_36 = vector.broadcast %max3A_35 : f32 to vector<10240x64xf32>
    %max3A_37 = arith.maximumf %add3A_31, %max3A_36 : vector<10240x64xf32>
    %sub3A = arith.subf %max3A_37, %add3A_31 : vector<10240x64xf32>
    %mul3A = vector.broadcast %get3A_34 : vector<1x1xf32> to vector<10240x64xf32>
    %mul3A_38 = arith.mulf %mul3A, %sub3A : vector<10240x64xf32>
    %add3A_39 = arith.addf %add3A_31, %mul3A_38 : vector<10240x64xf32>
    %swap3A = arith.constant 0 : index
    %swap3A_40 = arith.constant 0 : index
    %swap3A_41 = vector.load %arg10[%swap3A, %swap3A_40] : memref<10240x64xf32, #tpu.memory_space<vmem>>, vector<10240x64xf32>
    tpu.vector_store %arg10[%swap3A, %swap3A_40], %add3A_39 {strides = array<i32>} : memref<10240x64xf32, #tpu.memory_space<vmem>>, vector<10240x64xf32>,
    %get3A_42 = arith.constant 0 : index
    %get3A_43 = arith.constant 0 : index
    %get3A_44 = vector.load %arg4[%get3A_42, %get3A_43] : memref<64x64xf32, #tpu.memory_space<vmem>>, vector<64x64xf32>
    %dot_general3A = arith.constant dense<0.000000e+00> : vector<10240x64xf32>
    %dot_general3A_45 = tpu.matmul %add3A_39, %get3A_44, %dot_general3A {dimension_numbers = #tpu.dot_dimension_numbers<[1], [1], [0], [0], [0, 0, 1, 0], [], []>, transpose_lhs_hint = false} : vector<10240x64xf32>, vector<64x64xf32>, vector<10240x64xf32> -> vector<10240x64xf32>
    %swap3A_46 = arith.constant 0 : index
    %swap3A_47 = arith.constant 0 : index
    %swap3A_48 = vector.load %arg8[%swap3A_46, %swap3A_47] : memref<10240x64xf32, #tpu.memory_space<vmem>>, vector<10240x64xf32>
    tpu.vector_store %arg8[%swap3A_46, %swap3A_47], %dot_general3A_45 {strides = array<i32>} : memref<10240x64xf32, #tpu.memory_space<vmem>>, vector<10240x64xf32>,
    %get3A_49 = arith.constant 0 : index
    %get3A_50 = arith.constant 0 : index
    %get3A_51 = vector.load %arg5[%get3A_49, %get3A_50] : memref<64x64xf32, #tpu.memory_space<vmem>>, vector<64x64xf32>
    %dot_general3A_52 = arith.constant dense<0.000000e+00> : vector<10240x64xf32>
    %dot_general3A_53 = tpu.matmul %add3A_39, %get3A_51, %dot_general3A_52 {dimension_numbers = #tpu.dot_dimension_numbers<[1], [1], [0], [0], [0, 0, 1, 0], [], []>, transpose_lhs_hint = false} : vector<10240x64xf32>, vector<64x64xf32>, vector<10240x64xf32> -> vector<10240x64xf32>
    %get3A_54 = arith.constant 0 : index
    %get3A_55 = arith.constant 0 : index
    %get3A_56 = vector.load %arg6[%get3A_54, %get3A_55] : memref<1x64xf32, #tpu.memory_space<vmem>>, vector<1x64xf32>
    %add3A_57 = vector.broadcast %get3A_56 : vector<1x64xf32> to vector<10240x64xf32>
    %add3A_58 = arith.addf %dot_general3A_53, %add3A_57 : vector<10240x64xf32>
    %swap3A_59 = arith.constant 0 : index
    %swap3A_60 = arith.constant 0 : index
    %swap3A_61 = vector.load %arg9[%swap3A_59, %swap3A_60] : memref<10240x64xf32, #tpu.memory_space<vmem>>, vector<10240x64xf32>
    tpu.vector_store %arg9[%swap3A_59, %swap3A_60], %add3A_58 {strides = array<i32>} : memref<10240x64xf32, #tpu.memory_space<vmem>>, vector<10240x64xf32>,
    return
  }
}

module attributes {stable_mosaic.version = 14 : i64} {
  func.func @_tc_c_body(%arg0: memref<10240x64xf32, #tpu.memory_space<vmem>>, %arg1: memref<32x64xf32, #tpu.memory_space<vmem>>, %arg2: memref<1x32xf32, #tpu.memory_space<vmem>>, %arg3: memref<1x32xf32, #tpu.memory_space<vmem>>, %arg4: memref<1x1xf32, #tpu.memory_space<vmem>>, %arg5: memref<10240x1xi32, #tpu.memory_space<vmem>>, %arg6: memref<1x16xf32, #tpu.memory_space<vmem>>, %arg7: memref<10240x1xf32, #tpu.memory_space<vmem>>) attributes {dimension_semantics = [], scalar_prefetch = 0 : i64, scratch_operands = 0 : i64, tpu.core_type = #tpu.core_type<tc>} {
    %get3A = arith.constant 0 : index
    %get3A_0 = arith.constant 0 : index
    %get3A_1 = vector.load %arg0[%get3A, %get3A_0] : memref<10240x64xf32, #tpu.memory_space<vmem>>, vector<10240x64xf32>
    %get3A_2 = arith.constant 0 : index
    %get3A_3 = arith.constant 0 : index
    %get3A_4 = vector.load %arg1[%get3A_2, %get3A_3] : memref<32x64xf32, #tpu.memory_space<vmem>>, vector<32x64xf32>
    %dot_general3A = arith.constant dense<0.000000e+00> : vector<10240x32xf32>
    %dot_general3A_5 = tpu.matmul %get3A_1, %get3A_4, %dot_general3A {dimension_numbers = #tpu.dot_dimension_numbers<[1], [1], [0], [0], [0, 0, 1, 0], [], []>, transpose_lhs_hint = false} : vector<10240x64xf32>, vector<32x64xf32>, vector<10240x32xf32> -> vector<10240x32xf32>
    %get3A_6 = arith.constant 0 : index
    %get3A_7 = arith.constant 0 : index
    %get3A_8 = vector.load %arg2[%get3A_6, %get3A_7] : memref<1x32xf32, #tpu.memory_space<vmem>>, vector<1x32xf32>
    %add3A = vector.broadcast %get3A_8 : vector<1x32xf32> to vector<10240x32xf32>
    %add3A_9 = arith.addf %dot_general3A_5, %add3A : vector<10240x32xf32>
    %max3A = arith.constant 0.000000e+00 : f32
    %max3A_10 = vector.broadcast %max3A : f32 to vector<10240x32xf32>
    %max3A_11 = arith.maximumf %add3A_9, %max3A_10 : vector<10240x32xf32>
    %get3A_12 = arith.constant 0 : index
    %get3A_13 = arith.constant 0 : index
    %get3A_14 = vector.load %arg3[%get3A_12, %get3A_13] : memref<1x32xf32, #tpu.memory_space<vmem>>, vector<1x32xf32>
    %mul3A = vector.broadcast %get3A_14 : vector<1x32xf32> to vector<10240x32xf32>
    %mul3A_15 = arith.mulf %max3A_11, %mul3A : vector<10240x32xf32>
    %reduce_sum3A = arith.constant dense<0.000000e+00> : vector<10240xf32>
    %reduce_sum3A_16 = vector.multi_reduction <add>, %mul3A_15, %reduce_sum3A [1] : vector<10240x32xf32> to vector<10240xf32>
    %broadcast_in_dim3A = vector.shape_cast %reduce_sum3A_16 : vector<10240xf32> to vector<10240x1xf32>
    %get3A_17 = arith.constant 0 : index
    %get3A_18 = arith.constant 0 : index
    %get3A_19 = vector.load %arg4[%get3A_17, %get3A_18] : memref<1x1xf32, #tpu.memory_space<vmem>>, vector<1x1xf32>
    %add3A_20 = vector.broadcast %get3A_19 : vector<1x1xf32> to vector<10240x1xf32>
    %add3A_21 = arith.addf %broadcast_in_dim3A, %add3A_20 : vector<10240x1xf32>
    %logistic3A = arith.negf %add3A_21 : vector<10240x1xf32>
    %logistic3A_22 = math.exp %logistic3A : vector<10240x1xf32>
    %logistic3A_23 = arith.constant 1.000000e+00 : f32
    %logistic3A_24 = vector.broadcast %logistic3A_23 : f32 to vector<10240x1xf32>
    %logistic3A_25 = arith.addf %logistic3A_24, %logistic3A_22 : vector<10240x1xf32>
    %logistic3A_26 = arith.divf %logistic3A_24, %logistic3A_25 : vector<10240x1xf32>
    %get3A_27 = arith.constant 0 : index
    %get3A_28 = arith.constant 0 : index
    %get3A_29 = vector.load %arg5[%get3A_27, %get3A_28] : memref<10240x1xi32, #tpu.memory_space<vmem>>, vector<10240x1xi32>
    %iota3A = tpu.iota {dimensions = array<i32: 1>} : vector<1x16xi32>
    %eq3A = vector.broadcast %get3A_29 : vector<10240x1xi32> to vector<10240x16xi32>
    %eq3A_30 = vector.broadcast %iota3A : vector<1x16xi32> to vector<10240x16xi32>
    %eq3A_31 = arith.cmpi eq, %eq3A, %eq3A_30 : vector<10240x16xi32>
    %convert_element_type3A = arith.extui %eq3A_31 : vector<10240x16xi1> to vector<10240x16xi32>
    %convert_element_type3A_32 = arith.sitofp %convert_element_type3A : vector<10240x16xi32> to vector<10240x16xf32>
    %mul3A_33 = vector.broadcast %logistic3A_26 : vector<10240x1xf32> to vector<10240x16xf32>
    %mul3A_34 = arith.mulf %convert_element_type3A_32, %mul3A_33 : vector<10240x16xf32>
    %reduce_sum3A_35 = arith.constant dense<0.000000e+00> : vector<16xf32>
    %reduce_sum3A_36 = vector.multi_reduction <add>, %mul3A_34, %reduce_sum3A_35 [0] : vector<10240x16xf32> to vector<16xf32>
    %broadcast_in_dim3A_37 = vector.shape_cast %reduce_sum3A_36 : vector<16xf32> to vector<1x16xf32>
    %get3A_38 = arith.constant 0 : index
    %get3A_39 = arith.constant 0 : index
    %get3A_40 = vector.load %arg6[%get3A_38, %get3A_39] : memref<1x16xf32, #tpu.memory_space<vmem>>, vector<1x16xf32>
    %add3A_41 = arith.constant 9.99999996E-13 : f32
    %add3A_42 = vector.broadcast %add3A_41 : f32 to vector<1x16xf32>
    %add3A_43 = arith.addf %broadcast_in_dim3A_37, %add3A_42 : vector<1x16xf32>
    %div3A = arith.divf %get3A_40, %add3A_43 : vector<1x16xf32>
    %min3A = arith.constant 1.000000e+00 : f32
    %min3A_44 = vector.broadcast %min3A : f32 to vector<1x16xf32>
    %min3A_45 = arith.minimumf %div3A, %min3A_44 : vector<1x16xf32>
    %mul3A_46 = vector.broadcast %min3A_45 : vector<1x16xf32> to vector<10240x16xf32>
    %mul3A_47 = arith.mulf %convert_element_type3A_32, %mul3A_46 : vector<10240x16xf32>
    %reduce_sum3A_48 = arith.constant dense<0.000000e+00> : vector<10240xf32>
    %reduce_sum3A_49 = vector.multi_reduction <add>, %mul3A_47, %reduce_sum3A_48 [1] : vector<10240x16xf32> to vector<10240xf32>
    %broadcast_in_dim3A_50 = vector.shape_cast %reduce_sum3A_49 : vector<10240xf32> to vector<10240x1xf32>
    %mul3A_51 = arith.mulf %logistic3A_26, %broadcast_in_dim3A_50 : vector<10240x1xf32>
    %swap3A = arith.constant 0 : index
    %swap3A_52 = arith.constant 0 : index
    %swap3A_53 = vector.load %arg7[%swap3A, %swap3A_52] : memref<10240x1xf32, #tpu.memory_space<vmem>>, vector<10240x1xf32>
    tpu.vector_store %arg7[%swap3A, %swap3A_52], %mul3A_51 {strides = array<i32>} : memref<10240x1xf32, #tpu.memory_space<vmem>>, vector<10240x1xf32>,
    return
  }
}

</mosaic_0001>

<sc_bundles>
// kernel: _impl.5.cloned.1.call-start
scs
__scs_entry_jumppad:
0x0: {  	(pc) =	sbr.rel $0x88, $3  }
0x1: {  	(tag) =	ssettag $0x0;
	lr =	simm.s32 $0x1  }
0x2: {  	[smem:$0x3F93] =	sst lr;
	_ =	strace $0xD0000000  }
0x3: {  	_ = 	snop  }
0x4: {  	_ = 	snop  }
0x5: {  	_ = 	snop  }
0x6: {  	_ = 	snop  }
0x7: {  	_ = 	snop  }
__scs_overlays_trampoline_lowered:
0x8: {  	[smem:$0x3FA2] =	sst s0  }
0x9: {  	[smem:$0x3FA3] =	sst s1  }
0xa: {  	[smem:$0x3FA4] =	sst s2  }
0xb: {  	[smem:$0x3FA5] =	sst s3  }
0xc: {  	[smem:$0x3FA6] =	sst s4  }
0xd: {  	[smem:$0x3FA7] =	sst s5  }
0xe: {  	[smem:$0x3FA8] =	sst s6  }
0xf: {  	[smem:$0x3FA9] =	sst s7  }
0x10: {  	[smem:$0x3FAA] =	sst s8  }
0x11: {  	[smem:$0x3FAB] =	sst s9;
	s0 =	simm.s32 @!p0 $0x0  }
0x12: {  	s1 =	sld [smem:$0x3F91];
	s0 =	simm.s32 @p0 $0x1  }
0x13: {  	[smem:$0x3FAC] =	sst s0;
	s0 =	simm.s32 @!p1 $0x0  }
0x14: {  	s2 =	sld [smem:$0x3F90];
	s0 =	simm.s32 @p1 $0x1  }
0x15: {  	[smem:$0x3FAD] =	sst s0;
	s0 =	simm.s32 @!p2 $0x0  }
0x16: {  	s3 =	sld [smem:$0x3FDB];
	s0 =	simm.s32 @p2 $0x1  }
0x17: {  	s4 =	simm.s32 $0x1BF5;
	[smem:$0x3FAF] =	sst s0  }
0x18: {  	s0 =	sld [smem:$0x3F92];
	_ =	swait.ge [sflag:s4], $0x0  }
0x19: {  	s7 =	sld [smem:$0x3F93]  }
0x1a: {  	s8 =	sadd.s32 $0xFFFFE003, lr  }
0x1b: {  	s9 =	sadd.s32 $0xFFFFFEF7, lr;
	s5 =	simm.s32 $0xFFFFFFFF;
	p2 =	slt.u32 s8, $0xFFFFF086  }
0x1c: {  	p1 =	slt.u32 s9, $0xF7A;
	s5 =	simm.s32 @!p2 $0x0  }
0x1d: {  	s5 =	simm.s32 @p1 $0x1;
	p0 =	seq.s32 s7, s2  }
0x1e: {  	s7 =	smul.u32 @!p0 $0xF7A, s2;
	p2 =	seq.s32 @!p0 s5, $0x0  }
0x1f: {  	s9 =	smul.u32 $0xF7A, s1;
	s8 =	simm.s32 @!p0 $0x1BF5;
	p2 =	por !p2, p0  }
0x20: {  	[sflag:s8] =	ssyncset.s32 @!p0 $0xFFFFF086;
	s6 =	sadd.s32 @!p0 s3, s7;
	s7 =	simm.s32 @!p0 $0x108  }
0x21: {  	s3 =	sadd.s32 s3, s9;
	s6 =	sadd.s32 @!p0 $0x88, s6;
	s7 =	simm.s32 @p2 $0x1082  }
0x22: {  	[simem:s7], [sflag:s8] =	dma.local @!p0 [hbm:s6], $0xF7A  }
0x23: {  	s9 =	sor.u32 $0xD0000000, s2;
	s6 =	simm.s32 $0x108;
	_ =	swait.ge @!p0 [sflag:s8], $0x0  }
0x24: {  	s3 =	sadd.s32 $0x88, s3;
	s6 =	simm.s32 @!p1 $0x1082;
	[sflag:s4] =	ssyncset.s32 $0xFFFFF086  }
0x25: {  	[simem:s6], [sflag:s4] =	dma.local [hbm:s3], $0xF7A  }
0x26: {  	[smem:$0x3F93] =	sst s1;
	(tag) =	ssettag s2;
	_ =	strace s9  }
0x27: {  	s1 =	sld [smem:$0x3FA3]  }
0x28: {  	s2 =	sld [smem:$0x3FA4]  }
0x29: {  	s4 =	sld [smem:$0x3FA6]  }
0x2a: {  	p0 =	seq.s32 s5, $0x0;
	s5 =	sld [smem:$0x3FA7]  }
0x2b: {  	s6 =	sld [smem:$0x3FA8]  }
0x2c: {  	s7 =	sld [smem:$0x3FA9]  }
0x2d: {  	s3 =	simm.s32 $0x108;
	s8 =	sld [smem:$0x3FAA]  }
0x2e: {  	s3 =	simm.s32 @!p0 $0x1082;
	s9 =	sld [smem:$0x3FAB]  }
0x2f: {  	lr =	sadd.s32 s0, s3;
	s0 =	sld [smem:$0x3FA2]  }
0x30: {  	s3 =	sld [smem:$0x3FA5]  }
0x31: {  	[smem:$0x3FAE] =	sst s10  }
0x32: {  	s10 =	sld [smem:$0x3FAC];
	_ =	sdelay $0x3  }
0x33: {  	p0 =	seq.s32 s10, $0x1;
	s10 =	sld [smem:$0x3FAE];
	_ =	sdelay $0x3  }
0x34: {  	[smem:$0x3FAE] =	sst s10  }
0x35: {  	s10 =	sld [smem:$0x3FAD];
	_ =	sdelay $0x3  }
0x36: {  	p1 =	seq.s32 s10, $0x1;
	s10 =	sld [smem:$0x3FAE];
	_ =	sdelay $0x3  }
0x37: {  	[smem:$0x3FAE] =	sst s10  }
0x38: {  	s10 =	sld [smem:$0x3FAF]  }
0x39: {  	_ = 	snop;
	(pc) =	sbr.ind lr, $3  }
0x3a: {  	_ = 	snop  }
0x3b: {  	_ = 	snop  }
0x3c: {  	p2 =	seq.s32 s10, $0x1;
	s10 =	sld [smem:$0x3FAE]  }
0x3d: {  	_ =	shalt  }
0x3e: {  	_ =	shalt  }
0x3f: {  	_ =	shalt  }
0x40: {  	_ =	shalt  }
0x41: {  	_ =	shalt  }
0x42: {  	_ =	shalt  }
0x43: {  	_ =	shalt  }
0x44: {  	_ =	shalt  }
0x45: {  	_ =	shalt  }
0x46: {  	_ =	shalt  }
0x47: {  	_ =	shalt  }
0x48: {  	_ =	shalt  }
0x49: {  	_ =	shalt  }
0x4a: {  	_ =	shalt  }
0x4b: {  	_ =	shalt  }
0x4c: {  	_ =	shalt  }
0x4d: {  	_ =	shalt  }
0x4e: {  	_ =	shalt  }
0x4f: {  	_ =	shalt  }
0x50: {  	_ =	shalt  }
0x51: {  	_ =	shalt  }
0x52: {  	_ =	shalt  }
0x53: {  	_ =	shalt  }
0x54: {  	_ =	shalt  }
0x55: {  	_ =	shalt  }
0x56: {  	_ =	shalt  }
0x57: {  	_ =	shalt  }
0x58: {  	_ =	shalt  }
0x59: {  	_ =	shalt  }
0x5a: {  	_ =	shalt  }
0x5b: {  	_ =	shalt  }
0x5c: {  	_ =	shalt  }
0x5d: {  	_ =	shalt  }
0x5e: {  	_ =	shalt  }
0x5f: {  	_ =	shalt  }
0x60: {  	_ =	shalt  }
0x61: {  	_ =	shalt  }
0x62: {  	_ =	shalt  }
0x63: {  	_ =	shalt  }
0x64: {  	_ =	shalt  }
0x65: {  	_ =	shalt  }
0x66: {  	_ =	shalt  }
0x67: {  	_ =	shalt  }
0x68: {  	_ =	shalt  }
0x69: {  	_ =	shalt  }
0x6a: {  	_ =	shalt  }
0x6b: {  	_ =	shalt  }
0x6c: {  	_ =	shalt  }
0x6d: {  	_ =	shalt  }
0x6e: {  	_ =	shalt  }
0x6f: {  	_ =	shalt  }
0x70: {  	_ =	shalt  }
0x71: {  	_ =	shalt  }
0x72: {  	_ =	shalt  }
0x73: {  	_ =	shalt  }
0x74: {  	_ =	shalt  }
0x75: {  	_ =	shalt  }
0x76: {  	_ =	shalt  }
0x77: {  	_ =	shalt  }
0x78: {  	_ =	shalt  }
0x79: {  	_ =	shalt  }
0x7a: {  	_ =	shalt  }
0x7b: {  	_ =	shalt  }
0x7c: {  	_ =	shalt  }
0x7d: {  	_ =	shalt  }
0x7e: {  	_ =	shalt  }
0x7f: {  	_ =	shalt  }
0x80: {  	_ =	shalt  }
0x81: {  	_ =	shalt  }
0x82: {  	_ =	shalt  }
0x83: {  	_ =	shalt  }
0x84: {  	_ =	shalt  }
0x85: {  	_ =	shalt  }
0x86: {  	_ =	shalt  }
0x87: {  	_ =	shalt  }
.Lfunc_end0:
.L_simem_size_0:
called_computation.1_lowered:
.L_overlay_start_0:
0x88: {  	s2 =	sld [smem:$0x3FD9]  }
0x89: {  	s3 =	sld [smem:$0x3FFE];
	_ =	sdelay $0x1  }
0x8a: {  	s1 =	srdreg.scid  }
0x8b: {  	s0 =	sand.u32 $0x1, s1  }
0x8c: {  	s17 =	sshll.u32 s0, $0xA;
	s2 =	sadd.s32 s3, s2  }
0x8d: {  	s2 =	sadd.s32 s2, s17  }
0x8e: {  	[smem:$0x3FBA] =	sst s2  }
0x8f: {  	_ = 	snop  }
0x90: {  	s2 =	sld [smem:$0x3FD0];
	(tm) =	ssettm $0x1  }
0x91: {  	s18 =	sld [smem:$0x3FFB];
	_ =	sdelay $0x3  }
0x92: {  	_ =	strace s18  }
0x93: {  	s3 =	sld [smem:$0x3FFC];
	_ =	sdelay $0x3  }
0x94: {  	_ =	strace s3  }
0x95: {  	s3 =	sld [smem:$0x3FFD];
	_ =	sdelay $0x3  }
0x96: {  	_ =	strace s3  }
0x97: {  	_ =	strace $0x8FFFFFFF  }
0x98: {  	s19 =	sld [smem:$0x3FDB];
	_ =	sdelay $0x1  }
0x99: {  	s4 =	simm.s32 $_scs_section_size  }
0x9a: {  	s5 =	simm.s32 $_size__tile_overlayer_lowered;
	s6 =	simm.s32 $_tile_overlayer_lowered  }
0x9b: {  	s22 =	simm.s32 $0x1BFF;
	s21 =	sshll.u32 s6, $0x1;
	s3 =	sadd.s32 s4, s19  }
0x9c: {  	s7 =	simm.s32 $0x0;
	s20 =	sshll.u32 s5, $0x1;
	s5 =	sadd.s32 s21, s3  }
0x9d: {  	[timem:s7], [sflag:s22] =	dma.local [hbm:s5], s20  }
0x9e: {  	_ =	swait.ge [sflag:s22], s20  }
0x9f: {  	s4 =	ssub.s32 $0x0, s20;
	[sflag:s22] =	ssyncset.done $0x0  }
0xa0: {  	[sflag:s22] =	ssyncadd.s32 s4;
	_ =	sdelay $0x1  }
0xa1: {  	s23 =	simm.s32 $0x1B8B  }
0xa2: {  	_ =	swait.ge [sflag:s23], $0x1  }
0xa3: {  	[sflag:s23] =	ssyncset.done $0x0  }
0xa4: {  	s25 =	simm.s32 $0x1B8E;
	s24 =	sld [smem:$0x3FFE];
	[sflag:s23] =	ssyncadd.s32 $0xFFFFFFFF  }
0xa5: {  	s26 =	simm.s32 $execute0_lowered;
	[smem:$0x3FD2] =	sst s25  }
0xa6: {  	s5 =	sshll.u32 s26, $0x1;
	_ =	strace $0x80000046;
	[dreg:$0x1] =	wrdreg $0xFFFFFFFF  }
0xa7: {  	s28 =	simm.s32 $_size_execute0_lowered;
	s3 =	sadd.s32 s3, s5;
	[dreg:$0x0] =	wrdreg $0x0  }
0xa8: {  	s5 =	sshll.u32 s28, $0x1;
	[dreg:$0x2] =	wrdreg s3  }
0xa9: {  	[dreg:$0x3] =	wrdreg s5  }
0xaa: {  	[dreg:$0x4] =	wrdreg $0xC0  }
0xab: {  	_ =	task [dreg:s7], $0x5FFFF  }
0xac: {  	[dreg:$0x1] =	wrdreg $0xFFFFFFFF  }
0xad: {  	[dreg:$0x0] =	wrdreg $0x60  }
0xae: {  	[dreg:$0x2] =	wrdreg s24  }
0xaf: {  	[dreg:$0x3] =	wrdreg s2  }
0xb0: {  	[dreg:$0x4] =	wrdreg $0x2C000  }
0xb1: {  	[dreg:$0x5] =	wrdreg $0x9  }
0xb2: {  	_ =	task.clear_ibuf [dreg:s7], $0x6FFFF;
	_ =	strace $0x90000046  }
0xb3: {  	s29 =	simm.s32 $0x9;
	_ =	strace $0x80000048  }
0xb4: {  	_ =	swait.ge [sflag:s29], $0x1  }
0xb5: {  	[sflag:s29] =	ssyncadd.s32 $0xFFFFFFFF  }
0xb6: {  	_ =	strace $0x90000048  }
0xb7: {  	_ =	sfence  }
0xb8: {  	s30 =	sld [smem:$0x0];
	_ =	sdelay $0x2  }
0xb9: {  	s31 =	sshll.u32 s1, $0xD;
	s1 =	sshrl.u32 s1, $0x2  }
0xba: {  	s3 =	sand.u32 $0x4000, s31;
	s1 =	sadd.s32 s1, s30  }
0xbb: {  	s0 =	sor.u32 s3, s0;
	s1 =	sshll.u32 s1, $0x11  }
0xbc: {  	s0 =	sor.u32 s1, s0  }
0xbd: {  	s0 =	sadd.s32 $0x8F2B, s0  }
0xbe: {  	[sflag:s0] =	ssyncadd.remote.s32 $0x1  }
0xbf: {  	_ =	sfence.sel $0xFFFF  }
0xc0: {  	[dreg:$0x0] =	wrdreg $0xFFFFFFFF;
	(pc) =	sbr.abs _section_cstart, $3  }
0xc1: {  	[dreg:$0x1] =	wrdreg $0xFFFFFFFF  }
0xc2: {  	_ =	task.clear_ibuf [dreg:s7], $0x2FFFF;
	_ =	strace $0x9FFFFFFF  }
0xc3: {  	(tm) =	ssettm $0x7FFFFFFF  }
tec
execute0_lowered:
.L_overlay_start_1:
0x0: {  	(tag) =	ssettag $0x1  }
0x1: {  	s6 =	rddreg [dreg:$0x0]  }
0x2: {  	s2 =	rddreg [dreg:$0x1];
	s0 =	srdreg.scid  }
0x3: {  	s3 =	rddreg [dreg:$0x2];
	s1 =	stileid.u32  }
0x4: {  	s4 =	simm.s32 $0x0;
	s12 =	simm.s32 $0x2800;
	s13 =	simm.s32 $0x80  }
0x5: {  	s14 =	simm.s32 $0x1;
	s5 =	sand.u32 $0x1, s0;
	s0 =	rddreg [dreg:$0x3]  }
0x6: {  	s15 =	simm.s32 $0x0;
	s8 =	smul.u32 $0x1400, s1;
	[smem:$0x7FF] =	sst s4  }
0x7: {  	s31 =	sshll.u32 s1, $0x6;
	s7 =	sshll.u32 s5, $0x4;
	s9 =	smul.u32 $0x14000, s5  }
0x8: {  	_ =	strace $0x80000047;
	s10 =	ssub.s32 $0x2, s5;
	s5 =	sadd.s32 $0xCC00, s6  }
0x9: {  	s7 =	sor.u32 s1, s7;
	s11 =	sshrl.u32 s10, $0x1;
	s30 =	sadd.s32 s8, s3  }
0xa: {  	s7 =	smul.u32 $0x500, s7;
	s9 =	sadd.s32 s8, s9;
	s10 =	ssub.s32 s10, s11  }
0xb: {  	s11 =	sshrl.u32 s30, $0x3;
	s9 =	sshrl.u32 s9, $0x3;
	s8 =	smax.u32 s10, $0x1  }
0xc: {  	s10 =	sor.u32 $0x1C02, s31;
	s7 =	sadd.s32 s7, s6;
	s9 =	sadd.s32 s9, s6  }
0xd: {  	s6 =	sadd.s32 $0x2C00, s7;
	s7 =	sadd.s32 $0xCE00, s9;
	s9 =	simm.s32 $0x2  }
.LBB2_1:
0xe: {  	[tilespmem:s4], [sflag:$0x2] =	stream.linear.gather [hbm4b:s6+s4], $0x2800, $0x38;
	[tilespmem:$0x4000] =	vst v63  }
0xf: {  	_ =	swait.ge [sflag:s9], $0x2800  }
0x10: {  	[sflag:s9] =	ssyncset.done $0x0  }
0x11: {  	[sflag:s9] =	ssyncadd.s32 $0xFFFFD800  }
0x12: {  	[spmem:s11], [sflag:s10] =	dma.local [hbm:s2], $0x280  }
0x13: {  	_ =	swait.ge [sflag:s9], $0x280  }
0x14: {  	[sflag:s9] =	ssyncset.done $0x0  }
0x15: {  	[sflag:s9] =	ssyncadd.s32 $0xFFFFFD80  }
0x16: {  	[tilespmem:s12], [sflag:$0x2] =	stream.linear.gather [hbm4b:s5+s4], $0x400, $0x38;
	[tilespmem:$0x4000] =	vst v63  }
0x17: {  	_ =	swait.ge [sflag:s9], $0x400  }
0x18: {  	[sflag:s9] =	ssyncset.done $0x0  }
0x19: {  	[sflag:s9] =	ssyncadd.s32 $0xFFFFFC00  }
0x1a: {  	s16 =	simm.s32 $0x0;
	[bflag:$0x0] =	sbarrier.arrive $0xFFFF  }
.LBB2_2:
0x1b: {  	p0 =	sne.s32 s16, $0x9E00  }
.Ltmp0:
0x1c: {  	_ = 	snop;
	(pc) =	sbr.rel @p0 .LBB2_2-.Ltmp0, $3  }
0x1d: {  	_ =	sdelay $0x1  }
0x1e: {  	s17 =	sshra.s32 s16, $0x2;
	s16 =	sadd.s32 $0x200, s16  }
0x1f: {  	[spmem:s3] =	stream.indirect.scatter.add.f32 [tilespmem:s12], [sflag:$0x1], $0x8, s17, s13, $0xb8;
	[tilespmem:$0x4000] =	vst v63  }
0x20: {  	_ =	swait.ge [sflag:s14], $0x400  }
0x21: {  	s16 =	simm.s32 $0x4F;
	[sflag:s14] =	ssyncset.done $0x0  }
.LBB2_4:
0x22: {  	p0 =	sne.s32 s16, $0x1;
	s16 =	sadd.s32 $0xFFFFFFFF, s16;
	[sflag:s14] =	ssyncadd.s32 $0xFFFFFC00  }
.Ltmp1:
0x23: {  	(pc) =	sbr.rel @p0 .LBB2_4-.Ltmp1, $3  }
0x24: {  	_ =	sdelay $0x1  }
0x25: {  	_ =	swait.ge [sflag:s14], $0x400  }
0x26: {  	[sflag:s14] =	ssyncset.done $0x0  }
0x27: {  	s15 =	sadd.s32 $0x1, s15  }
0x28: {  	[sflag:s14] =	ssyncadd.s32 $0xFFFFFC00;
	p0 =	sne.s32 s15, s8  }
.Ltmp2:
0x29: {  	[bflag:$0x0] =	sbarrier.arrive $0xFFFF;
	(pc) =	sbr.rel @p0 .LBB2_1-.Ltmp2, $4  }
0x2a: {  	[hbm:s7], [sflag:s10] =	dma.local [spmem:s11], $0x280  }
0x2b: {  	_ =	swait.ge [sflag:s9], $0x280  }
0x2c: {  	[sflag:s9] =	ssyncset.done $0x0  }
0x2d: {  	[sflag:s9] =	ssyncadd.s32 $0xFFFFFD80  }
0x2e: {  	_ =	sfence.sel $0x180000  }
0x2f: {  	[bflag:$0x0] =	sbarrier.arrive $0xFFFF  }
0x30: {  	p0 =	sne.s32 s1, $0x0;
	_ =	strace $0x90000047  }
0x31: {  	s0 =	sadd.s32 @!p0 $0x100000, s0;
	[bflag:$0x2] =	sbarrier.arrive $0xFFFF  }
0x32: {  	[sflag:s0] =	ssyncadd.tile.s32 @!p0 $0x1;
	_ =	shalt  }
.Lfunc_end2:
_tile_overlayer_lowered:
.L_overlay_start_2:
0x33: {  	(tag) =	ssettag $0x2  }
0x34: {  	s0 =	rddreg [dreg:$0x0];
	s2 =	stileid.u32  }
0x35: {  	s1 =	rddreg [dreg:$0x1];
	p0 =	sne.s32 s2, $0x0  }
0x36: {  	s3 =	rddreg [dreg:$0x2];
	[bflag:$0x3] =	sbarrier.arrive $0xFFFF;
	s2 =	simm.s32 @!p0 $0x1C02  }
0x37: {  	[timem:s3], [sflag:s2] =	dma.local @!p0 [hbm:s0], s1  }
0x38: {  	s0 =	simm.s32 @!p0 $0x2  }
0x39: {  	_ =	swait.ge @!p0 [sflag:s0], s1  }
0x3a: {  	s1 =	ssub.s32 @!p0 $0x0, s1;
	[sflag:s0] =	ssyncset.done @!p0 $0x0  }
0x3b: {  	[sflag:s0] =	ssyncadd.s32 @!p0 s1  }
0x3c: {  	[bflag:$0x3] =	sbarrier.arrive $0xFFFF  }
0x3d: {  	_ =	shalt  }

// kernel: body.8.cloned.1.call-start
scs
__scs_entry_jumppad:
0x0: {  	(pc) =	sbr.rel $0x88, $3  }
0x1: {  	(tag) =	ssettag $0x0;
	lr =	simm.s32 $0x1  }
0x2: {  	[smem:$0x3F93] =	sst lr;
	_ =	strace $0xD0000000  }
0x3: {  	_ = 	snop  }
0x4: {  	_ = 	snop  }
0x5: {  	_ = 	snop  }
0x6: {  	_ = 	snop  }
0x7: {  	_ = 	snop  }
__scs_overlays_trampoline_lowered:
0x8: {  	[smem:$0x3FA2] =	sst s0  }
0x9: {  	[smem:$0x3FA3] =	sst s1  }
0xa: {  	[smem:$0x3FA4] =	sst s2  }
0xb: {  	[smem:$0x3FA5] =	sst s3  }
0xc: {  	[smem:$0x3FA6] =	sst s4  }
0xd: {  	[smem:$0x3FA7] =	sst s5  }
0xe: {  	[smem:$0x3FA8] =	sst s6  }
0xf: {  	[smem:$0x3FA9] =	sst s7  }
0x10: {  	[smem:$0x3FAA] =	sst s8  }
0x11: {  	[smem:$0x3FAB] =	sst s9;
	s0 =	simm.s32 @!p0 $0x0  }
0x12: {  	s1 =	sld [smem:$0x3F91];
	s0 =	simm.s32 @p0 $0x1  }
0x13: {  	[smem:$0x3FAC] =	sst s0;
	s0 =	simm.s32 @!p1 $0x0  }
0x14: {  	s2 =	sld [smem:$0x3F90];
	s0 =	simm.s32 @p1 $0x1  }
0x15: {  	[smem:$0x3FAD] =	sst s0;
	s0 =	simm.s32 @!p2 $0x0  }
0x16: {  	s3 =	sld [smem:$0x3FDB];
	s0 =	simm.s32 @p2 $0x1  }
0x17: {  	s4 =	simm.s32 $0x1BF5;
	[smem:$0x3FAF] =	sst s0  }
0x18: {  	s0 =	sld [smem:$0x3F92];
	_ =	swait.ge [sflag:s4], $0x0  }
0x19: {  	s7 =	sld [smem:$0x3F93]  }
0x1a: {  	s8 =	sadd.s32 $0xFFFFE003, lr  }
0x1b: {  	s9 =	sadd.s32 $0xFFFFFEF7, lr;
	s5 =	simm.s32 $0xFFFFFFFF;
	p2 =	slt.u32 s8, $0xFFFFF086  }
0x1c: {  	p1 =	slt.u32 s9, $0xF7A;
	s5 =	simm.s32 @!p2 $0x0  }
0x1d: {  	s5 =	simm.s32 @p1 $0x1;
	p0 =	seq.s32 s7, s2  }
0x1e: {  	s7 =	smul.u32 @!p0 $0xF7A, s2;
	p2 =	seq.s32 @!p0 s5, $0x0  }
0x1f: {  	s9 =	smul.u32 $0xF7A, s1;
	s8 =	simm.s32 @!p0 $0x1BF5;
	p2 =	por !p2, p0  }
0x20: {  	[sflag:s8] =	ssyncset.s32 @!p0 $0xFFFFF086;
	s6 =	sadd.s32 @!p0 s3, s7;
	s7 =	simm.s32 @!p0 $0x108  }
0x21: {  	s3 =	sadd.s32 s3, s9;
	s6 =	sadd.s32 @!p0 $0x88, s6;
	s7 =	simm.s32 @p2 $0x1082  }
0x22: {  	[simem:s7], [sflag:s8] =	dma.local @!p0 [hbm:s6], $0xF7A  }
0x23: {  	s9 =	sor.u32 $0xD0000000, s2;
	s6 =	simm.s32 $0x108;
	_ =	swait.ge @!p0 [sflag:s8], $0x0  }
0x24: {  	s3 =	sadd.s32 $0x88, s3;
	s6 =	simm.s32 @!p1 $0x1082;
	[sflag:s4] =	ssyncset.s32 $0xFFFFF086  }
0x25: {  	[simem:s6], [sflag:s4] =	dma.local [hbm:s3], $0xF7A  }
0x26: {  	[smem:$0x3F93] =	sst s1;
	(tag) =	ssettag s2;
	_ =	strace s9  }
0x27: {  	s1 =	sld [smem:$0x3FA3]  }
0x28: {  	s2 =	sld [smem:$0x3FA4]  }
0x29: {  	s4 =	sld [smem:$0x3FA6]  }
0x2a: {  	p0 =	seq.s32 s5, $0x0;
	s5 =	sld [smem:$0x3FA7]  }
0x2b: {  	s6 =	sld [smem:$0x3FA8]  }
0x2c: {  	s7 =	sld [smem:$0x3FA9]  }
0x2d: {  	s3 =	simm.s32 $0x108;
	s8 =	sld [smem:$0x3FAA]  }
0x2e: {  	s3 =	simm.s32 @!p0 $0x1082;
	s9 =	sld [smem:$0x3FAB]  }
0x2f: {  	lr =	sadd.s32 s0, s3;
	s0 =	sld [smem:$0x3FA2]  }
0x30: {  	s3 =	sld [smem:$0x3FA5]  }
0x31: {  	[smem:$0x3FAE] =	sst s10  }
0x32: {  	s10 =	sld [smem:$0x3FAC];
	_ =	sdelay $0x3  }
0x33: {  	p0 =	seq.s32 s10, $0x1;
	s10 =	sld [smem:$0x3FAE];
	_ =	sdelay $0x3  }
0x34: {  	[smem:$0x3FAE] =	sst s10  }
0x35: {  	s10 =	sld [smem:$0x3FAD];
	_ =	sdelay $0x3  }
0x36: {  	p1 =	seq.s32 s10, $0x1;
	s10 =	sld [smem:$0x3FAE];
	_ =	sdelay $0x3  }
0x37: {  	[smem:$0x3FAE] =	sst s10  }
0x38: {  	s10 =	sld [smem:$0x3FAF]  }
0x39: {  	_ = 	snop;
	(pc) =	sbr.ind lr, $3  }
0x3a: {  	_ = 	snop  }
0x3b: {  	_ = 	snop  }
0x3c: {  	p2 =	seq.s32 s10, $0x1;
	s10 =	sld [smem:$0x3FAE]  }
0x3d: {  	_ =	shalt  }
0x3e: {  	_ =	shalt  }
0x3f: {  	_ =	shalt  }
0x40: {  	_ =	shalt  }
0x41: {  	_ =	shalt  }
0x42: {  	_ =	shalt  }
0x43: {  	_ =	shalt  }
0x44: {  	_ =	shalt  }
0x45: {  	_ =	shalt  }
0x46: {  	_ =	shalt  }
0x47: {  	_ =	shalt  }
0x48: {  	_ =	shalt  }
0x49: {  	_ =	shalt  }
0x4a: {  	_ =	shalt  }
0x4b: {  	_ =	shalt  }
0x4c: {  	_ =	shalt  }
0x4d: {  	_ =	shalt  }
0x4e: {  	_ =	shalt  }
0x4f: {  	_ =	shalt  }
0x50: {  	_ =	shalt  }
0x51: {  	_ =	shalt  }
0x52: {  	_ =	shalt  }
0x53: {  	_ =	shalt  }
0x54: {  	_ =	shalt  }
0x55: {  	_ =	shalt  }
0x56: {  	_ =	shalt  }
0x57: {  	_ =	shalt  }
0x58: {  	_ =	shalt  }
0x59: {  	_ =	shalt  }
0x5a: {  	_ =	shalt  }
0x5b: {  	_ =	shalt  }
0x5c: {  	_ =	shalt  }
0x5d: {  	_ =	shalt  }
0x5e: {  	_ =	shalt  }
0x5f: {  	_ =	shalt  }
0x60: {  	_ =	shalt  }
0x61: {  	_ =	shalt  }
0x62: {  	_ =	shalt  }
0x63: {  	_ =	shalt  }
0x64: {  	_ =	shalt  }
0x65: {  	_ =	shalt  }
0x66: {  	_ =	shalt  }
0x67: {  	_ =	shalt  }
0x68: {  	_ =	shalt  }
0x69: {  	_ =	shalt  }
0x6a: {  	_ =	shalt  }
0x6b: {  	_ =	shalt  }
0x6c: {  	_ =	shalt  }
0x6d: {  	_ =	shalt  }
0x6e: {  	_ =	shalt  }
0x6f: {  	_ =	shalt  }
0x70: {  	_ =	shalt  }
0x71: {  	_ =	shalt  }
0x72: {  	_ =	shalt  }
0x73: {  	_ =	shalt  }
0x74: {  	_ =	shalt  }
0x75: {  	_ =	shalt  }
0x76: {  	_ =	shalt  }
0x77: {  	_ =	shalt  }
0x78: {  	_ =	shalt  }
0x79: {  	_ =	shalt  }
0x7a: {  	_ =	shalt  }
0x7b: {  	_ =	shalt  }
0x7c: {  	_ =	shalt  }
0x7d: {  	_ =	shalt  }
0x7e: {  	_ =	shalt  }
0x7f: {  	_ =	shalt  }
0x80: {  	_ =	shalt  }
0x81: {  	_ =	shalt  }
0x82: {  	_ =	shalt  }
0x83: {  	_ =	shalt  }
0x84: {  	_ =	shalt  }
0x85: {  	_ =	shalt  }
0x86: {  	_ =	shalt  }
0x87: {  	_ =	shalt  }
.Lfunc_end0:
.L_simem_size_0:
called_computation_lowered:
.L_overlay_start_0:
0x88: {  	s2 =	sld [smem:$0x3FD9]  }
0x89: {  	s3 =	sld [smem:$0x3FFE];
	_ =	sdelay $0x1  }
0x8a: {  	s1 =	srdreg.scid  }
0x8b: {  	s0 =	sand.u32 $0x1, s1  }
0x8c: {  	s16 =	sshll.u32 s0, $0xA;
	s2 =	sadd.s32 s3, s2  }
0x8d: {  	s2 =	sadd.s32 s2, s16  }
0x8e: {  	[smem:$0x3FBA] =	sst s2  }
0x8f: {  	_ = 	snop  }
0x90: {  	(tm) =	ssettm $0x1  }
0x91: {  	s17 =	sld [smem:$0x3FFB];
	_ =	sdelay $0x3  }
0x92: {  	_ =	strace s17  }
0x93: {  	s2 =	sld [smem:$0x3FFC];
	_ =	sdelay $0x3  }
0x94: {  	_ =	strace s2  }
0x95: {  	s2 =	sld [smem:$0x3FFD];
	_ =	sdelay $0x3  }
0x96: {  	_ =	strace s2  }
0x97: {  	_ =	strace $0x8FFFFFFF  }
0x98: {  	s18 =	sld [smem:$0x3FDB];
	_ =	sdelay $0x1  }
0x99: {  	s19 =	simm.s32 $_scs_section_size  }
0x9a: {  	s4 =	simm.s32 $_size__tile_overlayer_lowered;
	s5 =	simm.s32 $_tile_overlayer_lowered  }
0x9b: {  	s22 =	simm.s32 $0x1BFF;
	s21 =	sshll.u32 s5, $0x1;
	s2 =	sadd.s32 s19, s18  }
0x9c: {  	s6 =	simm.s32 $0x0;
	s20 =	sshll.u32 s4, $0x1;
	s4 =	sadd.s32 s21, s2  }
0x9d: {  	[timem:s6], [sflag:s22] =	dma.local [hbm:s4], s20  }
0x9e: {  	_ =	swait.ge [sflag:s22], s20  }
0x9f: {  	s3 =	ssub.s32 $0x0, s20;
	[sflag:s22] =	ssyncset.done $0x0  }
0xa0: {  	[sflag:s22] =	ssyncadd.s32 s3;
	_ =	sdelay $0x1  }
0xa1: {  	s23 =	simm.s32 $0x1B8B  }
0xa2: {  	_ =	swait.ge [sflag:s23], $0x1  }
0xa3: {  	[sflag:s23] =	ssyncset.done $0x0  }
0xa4: {  	s25 =	simm.s32 $0x1B8E;
	s24 =	sld [smem:$0x3FFE];
	[sflag:s23] =	ssyncadd.s32 $0xFFFFFFFF  }
0xa5: {  	s26 =	simm.s32 $execute0_lowered;
	[smem:$0x3FD2] =	sst s25  }
0xa6: {  	s4 =	sshll.u32 s26, $0x1;
	_ =	strace $0x80000049;
	[dreg:$0x1] =	wrdreg $0xFFFFFFFF  }
0xa7: {  	s28 =	simm.s32 $_size_execute0_lowered;
	s2 =	sadd.s32 s2, s4;
	[dreg:$0x0] =	wrdreg $0x0  }
0xa8: {  	s4 =	sshll.u32 s28, $0x1;
	[dreg:$0x2] =	wrdreg s2  }
0xa9: {  	[dreg:$0x3] =	wrdreg s4  }
0xaa: {  	[dreg:$0x4] =	wrdreg $0xC0  }
0xab: {  	_ =	task [dreg:s6], $0x5FFFF  }
0xac: {  	[dreg:$0x1] =	wrdreg $0xFFFFFFFF  }
0xad: {  	[dreg:$0x0] =	wrdreg $0x60  }
0xae: {  	[dreg:$0x2] =	wrdreg s24  }
0xaf: {  	[dreg:$0x3] =	wrdreg $0xF0000  }
0xb0: {  	[dreg:$0x4] =	wrdreg $0x9  }
0xb1: {  	_ =	task.clear_ibuf [dreg:s6], $0x5FFFF;
	_ =	strace $0x90000049  }
0xb2: {  	s29 =	simm.s32 $0x9;
	_ =	strace $0x8000004B  }
0xb3: {  	_ =	swait.ge [sflag:s29], $0x1  }
0xb4: {  	[sflag:s29] =	ssyncadd.s32 $0xFFFFFFFF  }
0xb5: {  	_ =	strace $0x9000004B  }
0xb6: {  	_ =	sfence  }
0xb7: {  	s30 =	sld [smem:$0x0];
	_ =	sdelay $0x2  }
0xb8: {  	s31 =	sshll.u32 s1, $0xD;
	s1 =	sshrl.u32 s1, $0x2  }
0xb9: {  	s3 =	sand.u32 $0x4000, s31;
	s1 =	sadd.s32 s1, s30  }
0xba: {  	s0 =	sor.u32 s3, s0;
	s1 =	sshll.u32 s1, $0x11  }
0xbb: {  	s0 =	sor.u32 s1, s0  }
0xbc: {  	s0 =	sadd.s32 $0x8F2B, s0  }
0xbd: {  	[sflag:s0] =	ssyncadd.remote.s32 $0x1  }
0xbe: {  	_ =	sfence.sel $0xFFFF  }
0xbf: {  	[dreg:$0x0] =	wrdreg $0xFFFFFFFF;
	(pc) =	sbr.abs _section_cstart, $3  }
0xc0: {  	[dreg:$0x1] =	wrdreg $0xFFFFFFFF  }
0xc1: {  	_ =	task.clear_ibuf [dreg:s6], $0x2FFFF;
	_ =	strace $0x9FFFFFFF  }
0xc2: {  	(tm) =	ssettm $0x7FFFFFFF  }
0xc3: {  	_ =	shalt  }
tec
execute0_lowered:
.L_overlay_start_1:
0x0: {  	(tag) =	ssettag $0x1  }
0x1: {  	s0 =	rddreg [dreg:$0x0]  }
0x2: {  	s2 =	rddreg [dreg:$0x1]  }
0x3: {  	s8 =	stileid.u32;
	s5 =	simm.s32 $0x0;
	s3 =	srdreg.scid  }
0x4: {  	s29 =	simm.s32 $0xB000;
	s30 =	simm.s32 $0x2;
	s1 =	smul.u32 $0x70, s8  }
0x5: {  	s28 =	simm.s32 $0x3;
	s31 =	simm.s32 $0x4;
	s4 =	smul.u32 $0x30, s8  }
0x6: {  	[smem:$0x7FF] =	sst s5;
	s3 =	sand.u32 $0x1, s3;
	s16 =	smul.u32 $0xA000, s8  }
0x7: {  	s18 =	smul.u32 $0x28000, s8;
	s5 =	simm.s32 $0x7;
	s8 =	simm.s32 $0x0  }
0x8: {  	p0 =	seq.s32 s3, $0x0;
	s7 =	smul.u32 $0xA0000, s3;
	_ =	strace $0x8000004A  }
0x9: {  	s3 =	ssub.s32 $0x2, s3;
	s6 =	sadd.s32 $0x700, s4;
	s4 =	sadd.s32 $0x94400, s0  }
0xa: {  	s19 =	sshrl.u32 s3, $0x1;
	s6 =	smov.u32 @p0 s1;
	s17 =	sadd.s32 s16, s7  }
0xb: {  	s3 =	ssub.s32 s3, s19;
	s7 =	sshrl.u32 s18, $0x2;
	s1 =	sshll.u32 s6, $0x4  }
0xc: {  	s6 =	sshrl.u32 s17, $0x3;
	s21 =	sadd.s32 s7, s2;
	s7 =	sadd.s32 s16, s2  }
0xd: {  	s19 =	smax.u32 s3, $0x1;
	s3 =	simm.s32 $0x6;
	s1 =	sadd.s32 s1, s0  }
0xe: {  	s0 =	sadd.s32 s6, s0;
	s6 =	simm.s32 $0xE000;
	s22 =	sadd.s32 $0x2000, s21  }
0xf: {  	s23 =	sadd.s32 $0x4000, s21;
	s24 =	sadd.s32 $0x6000, s21;
	[dreg:$0x5] =	wrdreg s22  }
0x10: {  	s26 =	sadd.s32 $0x8000, s21;
	s21 =	simm.s32 $0x9;
	[dreg:$0x6] =	wrdreg s23  }
0x11: {  	s6 =	simm.s32 @!p0 $0x6000;
	s20 =	sadd.s32 $0x62400, s1;
	[dreg:$0x7] =	wrdreg s24  }
0x12: {  	s1 =	sadd.s32 $0x2C00, s1;
	[dreg:$0x8] =	wrdreg s26;
	s18 =	sadd.s32 $0xA8400, s0  }
0x13: {  	s22 =	simm.s32 $0x3800;
	s23 =	simm.s32 $0x7000;
	s24 =	simm.s32 $0x80  }
0x14: {  	s26 =	simm.s32 $0x1;
	s0 =	simm.s32 $0x5;
	[dreg:$0x3] =	wrdreg s20  }
0x15: {  	[dreg:$0x4] =	wrdreg s1;
	s25 =	sshrl.u32 s6, $0x2;
	s20 =	sadd.s32 $0xFFFFF000, s6  }
0x16: {  	s1 =	simm.s32 $0xD000;
	s6 =	simm.s32 $0x8;
	s12 =	sadd.s32 $0x3600, s25  }
0x17: {  	s13 =	sadd.s32 $0xFFFFFF00, s25;
	s14 =	sadd.s32 $0x3680, s25;
	s15 =	sadd.s32 $0xFFFFFF80, s25  }
0x18: {  	v0 =	vimm.f32 $0.0e+00;
	s16 =	sadd.s32 $0x3700, s25;
	s17 =	sadd.s32 $0x3780, s25;
	s25 =	simm.s32 $0x9000  }
.LBB2_1:
0x19: {  	s9 =	simm.s32 $0x0;
	s10 =	rddreg [dreg:$0x3]  }
0x1a: {  	[tilespmem:s9], [sflag:$0x9] =	stream.linear.gather [hbm4b:s10+s9], $0x3800, $0x38;
	[tilespmem:$0x19000] =	vst v63  }
0x1b: {  	_ =	swait.ge [sflag:s21], $0x3800  }
0x1c: {  	[sflag:s21] =	ssyncset.done $0x0  }
0x1d: {  	s11 =	rddreg [dreg:$0x4];
	[sflag:s21] =	ssyncadd.s32 $0xFFFFC800  }
0x1e: {  	[tilespmem:s22], [sflag:$0x9] =	stream.linear.gather [hbm4b:s11+s9], $0x3800, $0x38;
	[tilespmem:$0x19000] =	vst v63  }
0x1f: {  	_ =	swait.ge [sflag:s21], $0x3800  }
0x20: {  	[sflag:s21] =	ssyncset.done $0x0  }
0x21: {  	s10 =	simm.s32 $0x100;
	s9 =	simm.s32 $0x0;
	[sflag:s21] =	ssyncadd.s32 $0xFFFFC800  }
.LBB2_2:
0x22: {  	p0 =	sne.s32 s10, $0x7F00;
	[tilespmem:s9+$0x7030] =	vst v0;
	s11 =	smov.u32 s10;
	s10 =	sadd.s32 $0x100, s10  }
.Ltmp0:
0x23: {  	[tilespmem:s9+$0x7020] =	vst v0;
	(pc) =	sbr.rel @p0 .LBB2_2-.Ltmp0, $3  }
0x24: {  	[tilespmem:s9+$0x7000] =	vst v0  }
0x25: {  	[tilespmem:s9+$0x7010] =	vst v0;
	_ =	sdelay $0x1  }
0x26: {  	s9 =	sshra.s32 s11, $0x2  }
0x27: {  	[tilespmem:s9+$0x7030] =	vst v0  }
0x28: {  	[tilespmem:s9+$0x7020] =	vst v0  }
0x29: {  	[tilespmem:s9+$0x7000] =	vst v0  }
0x2a: {  	[tilespmem:s9+$0x7010] =	vst v0  }
0x2b: {  	[spmem:s7] =	stream.linear.scatter [tilespmem:s23], [sflag:$0x9], $0x2000, $0x38;
	[tilespmem:$0x19000] =	vst v63  }
0x2c: {  	_ =	swait.ge [sflag:s21], $0x2000  }
0x2d: {  	[sflag:s21] =	ssyncset.done $0x0  }
0x2e: {  	s11 =	rddreg [dreg:$0x5];
	[sflag:s21] =	ssyncadd.s32 $0xFFFFE000  }
0x2f: {  	[spmem:s11] =	stream.linear.scatter [tilespmem:s23], [sflag:$0x9], $0x2000, $0x38;
	[tilespmem:$0x19000] =	vst v63  }
0x30: {  	_ =	swait.ge [sflag:s21], $0x2000  }
0x31: {  	[sflag:s21] =	ssyncset.done $0x0  }
0x32: {  	s10 =	rddreg [dreg:$0x6];
	[sflag:s21] =	ssyncadd.s32 $0xFFFFE000  }
0x33: {  	[spmem:s10] =	stream.linear.scatter [tilespmem:s23], [sflag:$0x9], $0x2000, $0x38;
	[tilespmem:$0x19000] =	vst v63  }
0x34: {  	_ =	swait.ge [sflag:s21], $0x2000  }
0x35: {  	[sflag:s21] =	ssyncset.done $0x0  }
0x36: {  	s11 =	rddreg [dreg:$0x7];
	[sflag:s21] =	ssyncadd.s32 $0xFFFFE000  }
0x37: {  	[spmem:s11] =	stream.linear.scatter [tilespmem:s23], [sflag:$0x9], $0x2000, $0x38;
	[tilespmem:$0x19000] =	vst v63  }
0x38: {  	_ =	swait.ge [sflag:s21], $0x2000  }
0x39: {  	[sflag:s21] =	ssyncset.done $0x0  }
0x3a: {  	s10 =	rddreg [dreg:$0x8];
	[sflag:s21] =	ssyncadd.s32 $0xFFFFE000  }
0x3b: {  	[spmem:s10] =	stream.linear.scatter [tilespmem:s23], [sflag:$0x9], $0x2000, $0x38;
	[tilespmem:$0x19000] =	vst v63  }
0x3c: {  	_ =	swait.ge [sflag:s21], $0x2000  }
0x3d: {  	[sflag:s21] =	ssyncset.done $0x0  }
0x3e: {  	[sflag:s21] =	ssyncadd.s32 $0xFFFFE000  }
0x3f: {  	s11 =	simm.s32 $0x0;
	[bflag:$0x0] =	sbarrier.arrive $0xFFFF  }
0x40: {  	[tilespmem:s23], [sflag:$0x1] =	stream.indirect.gather [hbm4b:s4+s24], $0x40, s11, s24, $0xb8;
	[tilespmem:$0x19000] =	vst v63  }
0x41: {  	_ = 	snop  }
0x42: {  	[tilespmem:s25], [sflag:$0x2] =	stream.indirect.gather [hbm4b:s4+s24], $0x40, s24, s24, $0xb8;
	[tilespmem:$0x19000] =	vst v63  }
0x43: {  	_ =	swait.ge [sflag:s26], $0x2000  }
0x44: {  	[sflag:s26] =	ssyncset.done $0x0  }
0x45: {  	[sflag:s26] =	ssyncadd.s32 $0xFFFFE000  }
0x46: {  	[spmem:s2] =	stream.indirect.scatter.add.f32 [tilespmem:s23], [sflag:$0x5], $0x40, s22, s24, $0xb8;
	[tilespmem:$0x19000] =	vst v63  }
0x47: {  	s10 =	simm.s32 $0x100  }
0x48: {  	[tilespmem:s29], [sflag:$0x3] =	stream.indirect.gather [hbm4b:s4+s24], $0x40, s10, s24, $0xb8;
	[tilespmem:$0x19000] =	vst v63  }
0x49: {  	_ =	swait.ge [sflag:s30], $0x2000  }
0x4a: {  	[sflag:s30] =	ssyncset.done $0x0  }
0x4b: {  	s11 =	simm.s32 $0x3880;
	[sflag:s30] =	ssyncadd.s32 $0xFFFFE000  }
0x4c: {  	[spmem:s2] =	stream.indirect.scatter.add.f32 [tilespmem:s25], [sflag:$0x6], $0x40, s11, s24, $0xb8;
	[tilespmem:$0x19000] =	vst v63  }
0x4d: {  	s10 =	simm.s32 $0x180  }
0x4e: {  	[tilespmem:s1], [sflag:$0x4] =	stream.indirect.gather [hbm4b:s4+s24], $0x40, s10, s24, $0xb8;
	[tilespmem:$0x19000] =	vst v63  }
0x4f: {  	_ =	swait.ge [sflag:s28], $0x2000  }
0x50: {  	[sflag:s28] =	ssyncset.done $0x0  }
0x51: {  	s11 =	simm.s32 $0x3900;
	[sflag:s28] =	ssyncadd.s32 $0xFFFFE000  }
0x52: {  	[spmem:s2] =	stream.indirect.scatter.add.f32 [tilespmem:s29], [sflag:$0x7], $0x40, s11, s24, $0xb8;
	[tilespmem:$0x19000] =	vst v63  }
0x53: {  	_ =	swait.ge [sflag:s0], $0x2000  }
0x54: {  	[sflag:s0] =	ssyncset.done $0x0  }
0x55: {  	s10 =	simm.s32 $0x200;
	[sflag:s0] =	ssyncadd.s32 $0xFFFFE000  }
0x56: {  	[tilespmem:s23], [sflag:$0x1] =	stream.indirect.gather [hbm4b:s4+s24], $0x40, s10, s24, $0xb8;
	[tilespmem:$0x19000] =	vst v63  }
0x57: {  	_ =	swait.ge [sflag:s31], $0x2000  }
0x58: {  	[sflag:s31] =	ssyncset.done $0x0  }
0x59: {  	s11 =	simm.s32 $0x3980;
	[sflag:s31] =	ssyncadd.s32 $0xFFFFE000  }
0x5a: {  	[spmem:s2] =	stream.indirect.scatter.add.f32 [tilespmem:s1], [sflag:$0x8], $0x40, s11, s24, $0xb8;
	[tilespmem:$0x19000] =	vst v63  }
0x5b: {  	_ =	swait.ge [sflag:s3], $0x2000  }
0x5c: {  	[sflag:s3] =	ssyncset.done $0x0  }
0x5d: {  	s10 =	simm.s32 $0x280;
	[sflag:s3] =	ssyncadd.s32 $0xFFFFE000  }
0x5e: {  	[tilespmem:s25], [sflag:$0x2] =	stream.indirect.gather [hbm4b:s4+s24], $0x40, s10, s24, $0xb8;
	[tilespmem:$0x19000] =	vst v63  }
0x5f: {  	_ =	swait.ge [sflag:s26], $0x2000  }
0x60: {  	[sflag:s26] =	ssyncset.done $0x0  }
0x61: {  	s11 =	simm.s32 $0x3A00;
	[sflag:s26] =	ssyncadd.s32 $0xFFFFE000  }
0x62: {  	[spmem:s2] =	stream.indirect.scatter.add.f32 [tilespmem:s23], [sflag:$0x5], $0x40, s11, s24, $0xb8;
	[tilespmem:$0x19000] =	vst v63  }
0x63: {  	_ =	swait.ge [sflag:s5], $0x2000  }
0x64: {  	[sflag:s5] =	ssyncset.done $0x0  }
0x65: {  	s10 =	simm.s32 $0x300;
	[sflag:s5] =	ssyncadd.s32 $0xFFFFE000  }
0x66: {  	[tilespmem:s29], [sflag:$0x3] =	stream.indirect.gather [hbm4b:s4+s24], $0x40, s10, s24, $0xb8;
	[tilespmem:$0x19000] =	vst v63  }
0x67: {  	_ =	swait.ge [sflag:s30], $0x2000  }
0x68: {  	[sflag:s30] =	ssyncset.done $0x0  }
0x69: {  	s11 =	simm.s32 $0x3A80;
	[sflag:s30] =	ssyncadd.s32 $0xFFFFE000  }
0x6a: {  	[spmem:s2] =	stream.indirect.scatter.add.f32 [tilespmem:s25], [sflag:$0x6], $0x40, s11, s24, $0xb8;
	[tilespmem:$0x19000] =	vst v63  }
0x6b: {  	_ =	swait.ge [sflag:s6], $0x2000  }
0x6c: {  	[sflag:s6] =	ssyncset.done $0x0  }
0x6d: {  	s10 =	simm.s32 $0x380;
	[sflag:s6] =	ssyncadd.s32 $0xFFFFE000  }
0x6e: {  	[tilespmem:s1], [sflag:$0x4] =	stream.indirect.gather [hbm4b:s4+s24], $0x40, s10, s24, $0xb8;
	[tilespmem:$0x19000] =	vst v63  }
0x6f: {  	_ =	swait.ge [sflag:s28], $0x2000  }
0x70: {  	[sflag:s28] =	ssyncset.done $0x0  }
0x71: {  	s11 =	simm.s32 $0x3B00;
	[sflag:s28] =	ssyncadd.s32 $0xFFFFE000  }
0x72: {  	[spmem:s2] =	stream.indirect.scatter.add.f32 [tilespmem:s29], [sflag:$0x7], $0x40, s11, s24, $0xb8;
	[tilespmem:$0x19000] =	vst v63  }
0x73: {  	_ =	swait.ge [sflag:s0], $0x2000  }
0x74: {  	[sflag:s0] =	ssyncset.done $0x0  }
0x75: {  	s10 =	simm.s32 $0x400;
	[sflag:s0] =	ssyncadd.s32 $0xFFFFE000  }
0x76: {  	[tilespmem:s23], [sflag:$0x1] =	stream.indirect.gather [hbm4b:s4+s24], $0x40, s10, s24, $0xb8;
	[tilespmem:$0x19000] =	vst v63  }
0x77: {  	_ =	swait.ge [sflag:s31], $0x2000  }
0x78: {  	p0 =	sne.s32 s20, $0x800;
	[sflag:s31] =	ssyncset.done $0x0  }
.Ltmp1:
0x79: {  	s11 =	simm.s32 $0x3B80;
	[sflag:s31] =	ssyncadd.s32 $0xFFFFE000;
	(pc) =	sbr.rel @!p0 .LBB2_5-.Ltmp1, $4  }
0x7a: {  	[spmem:s2] =	stream.indirect.scatter.add.f32 [tilespmem:s1], [sflag:$0x8], $0x40, s11, s24, $0xb8;
	[tilespmem:$0x19000] =	vst v63  }
0x7b: {  	_ =	swait.ge [sflag:s3], $0x2000  }
0x7c: {  	[sflag:s3] =	ssyncset.done $0x0  }
0x7d: {  	s9 =	simm.s32 $0x800;
	s10 =	simm.s32 $0x480;
	[sflag:s3] =	ssyncadd.s32 $0xFFFFE000  }
.LBB2_4:
0x7e: {  	[tilespmem:s25], [sflag:$0x2] =	stream.indirect.gather [hbm4b:s4+s24], $0x40, s10, s24, $0xb8;
	[tilespmem:$0x19000] =	vst v63  }
0x7f: {  	s10 =	smov.u32 s9;
	s9 =	sadd.s32 $0x800, s9;
	_ =	swait.ge [sflag:s26], $0x2000  }
0x80: {  	s10 =	sshra.s32 s10, $0x2;
	p0 =	sne.s32 s20, s9;
	[sflag:s26] =	ssyncset.done $0x0  }
0x81: {  	s11 =	sadd.s32 $0x3A00, s10;
	[sflag:s26] =	ssyncadd.s32 $0xFFFFE000  }
0x82: {  	[spmem:s2] =	stream.indirect.scatter.add.f32 [tilespmem:s23], [sflag:$0x5], $0x40, s11, s24, $0xb8;
	[tilespmem:$0x19000] =	vst v63  }
0x83: {  	_ =	swait.ge [sflag:s5], $0x2000  }
0x84: {  	[sflag:s5] =	ssyncset.done $0x0  }
0x85: {  	s11 =	sadd.s32 $0x300, s10;
	[sflag:s5] =	ssyncadd.s32 $0xFFFFE000  }
0x86: {  	[tilespmem:s29], [sflag:$0x3] =	stream.indirect.gather [hbm4b:s4+s24], $0x40, s11, s24, $0xb8;
	[tilespmem:$0x19000] =	vst v63  }
0x87: {  	_ =	swait.ge [sflag:s30], $0x2000  }
0x88: {  	[sflag:s30] =	ssyncset.done $0x0  }
0x89: {  	s11 =	sadd.s32 $0x3A80, s10;
	[sflag:s30] =	ssyncadd.s32 $0xFFFFE000  }
0x8a: {  	[spmem:s2] =	stream.indirect.scatter.add.f32 [tilespmem:s25], [sflag:$0x6], $0x40, s11, s24, $0xb8;
	[tilespmem:$0x19000] =	vst v63  }
0x8b: {  	_ =	swait.ge [sflag:s6], $0x2000  }
0x8c: {  	[sflag:s6] =	ssyncset.done $0x0  }
0x8d: {  	s11 =	sadd.s32 $0x380, s10;
	[sflag:s6] =	ssyncadd.s32 $0xFFFFE000  }
0x8e: {  	[tilespmem:s1], [sflag:$0x4] =	stream.indirect.gather [hbm4b:s4+s24], $0x40, s11, s24, $0xb8;
	[tilespmem:$0x19000] =	vst v63  }
0x8f: {  	_ =	swait.ge [sflag:s28], $0x2000  }
0x90: {  	[sflag:s28] =	ssyncset.done $0x0  }
0x91: {  	s11 =	sadd.s32 $0x3B00, s10;
	[sflag:s28] =	ssyncadd.s32 $0xFFFFE000  }
0x92: {  	[spmem:s2] =	stream.indirect.scatter.add.f32 [tilespmem:s29], [sflag:$0x7], $0x40, s11, s24, $0xb8;
	[tilespmem:$0x19000] =	vst v63  }
0x93: {  	_ =	swait.ge [sflag:s0], $0x2000  }
0x94: {  	[sflag:s0] =	ssyncset.done $0x0  }
0x95: {  	s11 =	sadd.s32 $0x400, s10;
	[sflag:s0] =	ssyncadd.s32 $0xFFFFE000  }
0x96: {  	[tilespmem:s23], [sflag:$0x1] =	stream.indirect.gather [hbm4b:s4+s24], $0x40, s11, s24, $0xb8;
	[tilespmem:$0x19000] =	vst v63  }
0x97: {  	_ =	swait.ge [sflag:s31], $0x2000  }
0x98: {  	[sflag:s31] =	ssyncset.done $0x0  }
.Ltmp2:
0x99: {  	s11 =	sadd.s32 $0x3B80, s10;
	[sflag:s31] =	ssyncadd.s32 $0xFFFFE000;
	(pc) =	sbr.rel @p0 .LBB2_4-.Ltmp2, $4  }
0x9a: {  	[spmem:s2] =	stream.indirect.scatter.add.f32 [tilespmem:s1], [sflag:$0x8], $0x40, s11, s24, $0xb8;
	[tilespmem:$0x19000] =	vst v63  }
0x9b: {  	_ =	swait.ge [sflag:s3], $0x2000  }
0x9c: {  	[sflag:s3] =	ssyncset.done $0x0  }
0x9d: {  	s10 =	sadd.s32 $0x480, s10;
	[sflag:s3] =	ssyncadd.s32 $0xFFFFE000  }
.LBB2_5:
0x9e: {  	[tilespmem:s25], [sflag:$0x2] =	stream.indirect.gather [hbm4b:s4+s24], $0x40, s10, s24, $0xb8;
	[tilespmem:$0x19000] =	vst v63  }
0x9f: {  	_ =	swait.ge [sflag:s26], $0x2000  }
0xa0: {  	[sflag:s26] =	ssyncset.done $0x0  }
0xa1: {  	[sflag:s26] =	ssyncadd.s32 $0xFFFFE000  }
0xa2: {  	[spmem:s2] =	stream.indirect.scatter.add.f32 [tilespmem:s23], [sflag:$0x5], $0x40, s12, s24, $0xb8;
	[tilespmem:$0x19000] =	vst v63  }
0xa3: {  	_ =	swait.ge [sflag:s5], $0x2000  }
0xa4: {  	[sflag:s5] =	ssyncset.done $0x0  }
0xa5: {  	[sflag:s5] =	ssyncadd.s32 $0xFFFFE000  }
0xa6: {  	[tilespmem:s29], [sflag:$0x3] =	stream.indirect.gather [hbm4b:s4+s24], $0x40, s13, s24, $0xb8;
	[tilespmem:$0x19000] =	vst v63  }
0xa7: {  	_ =	swait.ge [sflag:s30], $0x2000  }
0xa8: {  	[sflag:s30] =	ssyncset.done $0x0  }
0xa9: {  	[sflag:s30] =	ssyncadd.s32 $0xFFFFE000  }
0xaa: {  	[spmem:s2] =	stream.indirect.scatter.add.f32 [tilespmem:s25], [sflag:$0x6], $0x40, s14, s24, $0xb8;
	[tilespmem:$0x19000] =	vst v63  }
0xab: {  	_ =	swait.ge [sflag:s6], $0x2000  }
0xac: {  	[sflag:s6] =	ssyncset.done $0x0  }
0xad: {  	[sflag:s6] =	ssyncadd.s32 $0xFFFFE000  }
0xae: {  	[tilespmem:s1], [sflag:$0x4] =	stream.indirect.gather [hbm4b:s4+s24], $0x40, s15, s24, $0xb8;
	[tilespmem:$0x19000] =	vst v63  }
0xaf: {  	_ =	swait.ge [sflag:s28], $0x2000  }
0xb0: {  	[sflag:s28] =	ssyncset.done $0x0  }
0xb1: {  	[sflag:s28] =	ssyncadd.s32 $0xFFFFE000  }
0xb2: {  	[spmem:s2] =	stream.indirect.scatter.add.f32 [tilespmem:s29], [sflag:$0x7], $0x40, s16, s24, $0xb8;
	[tilespmem:$0x19000] =	vst v63  }
0xb3: {  	_ =	swait.ge [sflag:s0], $0x2000  }
0xb4: {  	[sflag:s0] =	ssyncset.done $0x0  }
0xb5: {  	[sflag:s0] =	ssyncadd.s32 $0xFFFFE000  }
0xb6: {  	_ =	swait.ge [sflag:s31], $0x2000  }
0xb7: {  	[sflag:s31] =	ssyncset.done $0x0  }
0xb8: {  	[sflag:s31] =	ssyncadd.s32 $0xFFFFE000  }
0xb9: {  	[spmem:s2] =	stream.indirect.scatter.add.f32 [tilespmem:s1], [sflag:$0x8], $0x40, s17, s24, $0xb8;
	[tilespmem:$0x19000] =	vst v63  }
0xba: {  	_ =	swait.ge [sflag:s3], $0x2000  }
0xbb: {  	[sflag:s3] =	ssyncset.done $0x0  }
0xbc: {  	[sflag:s3] =	ssyncadd.s32 $0xFFFFE000  }
0xbd: {  	_ =	swait.ge [sflag:s5], $0x2000  }
0xbe: {  	[sflag:s5] =	ssyncset.done $0x0  }
0xbf: {  	[sflag:s5] =	ssyncadd.s32 $0xFFFFE000  }
0xc0: {  	s9 =	stileid.u32;
	_ =	swait.ge [sflag:s6], $0x2000  }
0xc1: {  	s11 =	sshrl.u32 s7, $0x3;
	s8 =	sadd.s32 $0x1, s8;
	[sflag:s6] =	ssyncset.done $0x0  }
0xc2: {  	s9 =	sshll.u32 s9, $0x6;
	p0 =	sne.s32 s8, s19;
	[sflag:s6] =	ssyncadd.s32 $0xFFFFE000  }
.Ltmp3:
0xc3: {  	s9 =	sor.u32 $0x1C09, s9;
	[bflag:$0x0] =	sbarrier.arrive $0xFFFF;
	(pc) =	sbr.rel @p0 .LBB2_1-.Ltmp3, $4  }
0xc4: {  	[hbm:s18], [sflag:s9] =	dma.local [spmem:s11], $0x1400  }
0xc5: {  	_ =	swait.ge [sflag:s21], $0x1400  }
0xc6: {  	[sflag:s21] =	ssyncset.done $0x0  }
0xc7: {  	[sflag:s21] =	ssyncadd.s32 $0xFFFFEC00  }
0xc8: {  	_ =	sfence.sel $0x180000  }
0xc9: {  	[bflag:$0x0] =	sbarrier.arrive $0xFFFF  }
0xca: {  	_ =	strace $0x9000004A  }
0xcb: {  	s0 =	stileid.u32;
	[bflag:$0x2] =	sbarrier.arrive $0xFFFF  }
0xcc: {  	p0 =	sne.s32 s0, $0x0;
	s0 =	rddreg [dreg:$0x2]  }
0xcd: {  	s0 =	sadd.s32 @!p0 $0x100000, s0  }
0xce: {  	[sflag:s0] =	ssyncadd.tile.s32 @!p0 $0x1;
	_ =	shalt  }
.Lfunc_end2:
_tile_overlayer_lowered:
.L_overlay_start_2:
0xcf: {  	(tag) =	ssettag $0x2  }
0xd0: {  	s0 =	rddreg [dreg:$0x0];
	s2 =	stileid.u32  }
0xd1: {  	s1 =	rddreg [dreg:$0x1];
	p0 =	sne.s32 s2, $0x0  }
0xd2: {  	s3 =	rddreg [dreg:$0x2];
	[bflag:$0x3] =	sbarrier.arrive $0xFFFF;
	s2 =	simm.s32 @!p0 $0x1C09  }
0xd3: {  	[timem:s3], [sflag:s2] =	dma.local @!p0 [hbm:s0], s1  }
0xd4: {  	s0 =	simm.s32 @!p0 $0x9  }
0xd5: {  	_ =	swait.ge @!p0 [sflag:s0], s1  }
0xd6: {  	s1 =	ssub.s32 @!p0 $0x0, s1;
	[sflag:s0] =	ssyncset.done @!p0 $0x0  }
0xd7: {  	[sflag:s0] =	ssyncadd.s32 @!p0 s1  }
0xd8: {  	[bflag:$0x3] =	sbarrier.arrive $0xFFFF  }
0xd9: {  	_ =	shalt  }

</sc_bundles>
